<compile_context>
chip_gen: v7x
topology: tpu7x:2x2x1
jax: 0.10.2.dev20260603
libtpu: 0.0.44.dev20260713+nightly
codegen_flags: <defaults>
</compile_context>

<pallas_src>
import functools

import jax
import jax.numpy as jnp
from jax import lax
from jax.experimental import pallas as pl
from jax.experimental.pallas import tpu as pltpu
from jax.experimental.pallas import tpu_sc as plsc

N = 100000
E = 1600000
T = 4
NC = 2
NS = 16
L = 16
NW = NC * NS
EPW = E // NW
W = 10000
NWIN = EPW // W
NCHUNK = W // L
NPAD = 100352
SLICE = NPAD // NS


def _sc_body(x0, x1, x2, x3, src, dst, ea0, ea1, pv0, pv1, pdp, out,
             v0v, v1v, dpv, src_v, dst_v, ea0_v, ea1_v, wm_v,
             xg0, xg1, xg2, xg3,
             acc0, acc1, acc2, acc3, dega,
             g0, g1, g2, g3, s0, s1, s2, s3, s4, l0, l1, l2, l3):
    gsem = (g0, g1, g2, g3)
    ssem = (s0, s1, s2, s3, s4)
    c = lax.axis_index("c")
    s = lax.axis_index("s")
    wid = s * NC + c
    xh = (x0, x1, x2, x3)
    xg = (xg0, xg1, xg2, xg3)
    accs = (acc0, acc1, acc2, acc3, dega)

    pltpu.sync_copy(pv0, v0v)
    pltpu.sync_copy(pv1, v1v)
    pltpu.sync_copy(pdp, dpv)
    v0 = v0v[...]
    v1 = v1v[...]
    dp = dpv[...]
    d2 = dp * dp

    def zloop(j, carry):
        ea0_v[pl.ds(j * L, L)] = jnp.zeros((L,), jnp.float32)
        return carry
    lax.fori_loop(0, SLICE // L, zloop, 0)
    off = pl.multiple_of(s * SLICE, 8)
    for a in accs:
        pltpu.sync_copy(ea0_v.at[pl.ds(0, SLICE)], a.at[pl.ds(off, SLICE)])
    plsc.subcore_barrier()

    def window(w, carry):
        base = pl.multiple_of(wid * EPW + w * W, 8)
        cs = pltpu.async_copy(src.at[pl.ds(base, W)], src_v, l0)
        cd = pltpu.async_copy(dst.at[pl.ds(base, W)], dst_v, l1)
        c0 = pltpu.async_copy(ea0.at[pl.ds(base, W)], ea0_v, l2)
        c1 = pltpu.async_copy(ea1.at[pl.ds(base, W)], ea1_v, l3)
        cd.wait()
        gds = [pltpu.async_copy(xh[t].at[dst_v], xg[t], gsem[t])
               for t in range(T)]
        c0.wait()
        c1.wait()
        cs.wait()
        for g in gds:
            g.wait()

        def chunk(i, carry):
            sl = pl.ds(i * L, L)
            a = ea0_v[sl]
            b = ea1_v[sl]
            coef = (a * v0 + b * v1) * -0.5
            wm_v[sl] = coef - d2
            p = coef + d2
            for t in range(T):
                xg[t][sl] = p * xg[t][sl]
            return carry
        lax.fori_loop(0, NCHUNK, chunk, 0)

        scs = [pltpu.async_copy(xg[t], accs[t].at[src_v], ssem[t],
                                add=True)
               for t in range(T)]
        scs.append(pltpu.async_copy(wm_v, dega.at[src_v], ssem[4],
                                    add=True))
        for d in scs:
            d.wait()
        return carry
    lax.fori_loop(0, NWIN, window, 0)

    plsc.subcore_barrier()
    for i, a in enumerate(accs):
        oo = pl.multiple_of((c * 5 + i) * NPAD + off, 8)
        pltpu.sync_copy(a.at[pl.ds(off, SLICE)], out.at[pl.ds(oo, SLICE)])


_sc_call = functools.partial(
    pl.kernel,
    out_type=jax.ShapeDtypeStruct((NC * 5 * NPAD,), jnp.float32),
    mesh=plsc.VectorSubcoreMesh(core_axis_name="c", subcore_axis_name="s",
                                num_cores=NC, num_subcores=NS),
    compiler_params=pltpu.CompilerParams(needs_layout_passes=False),
    scratch_types=[
        pltpu.VMEM((L,), jnp.float32),
        pltpu.VMEM((L,), jnp.float32),
        pltpu.VMEM((L,), jnp.float32),
        pltpu.VMEM((W,), jnp.int32),
        pltpu.VMEM((W,), jnp.int32),
        pltpu.VMEM((W,), jnp.float32),
        pltpu.VMEM((W,), jnp.float32),
        pltpu.VMEM((W,), jnp.float32),
        pltpu.VMEM((W,), jnp.float32),
        pltpu.VMEM((W,), jnp.float32),
        pltpu.VMEM((W,), jnp.float32),
        pltpu.VMEM((W,), jnp.float32),
        pltpu.VMEM_SHARED((NPAD,), jnp.float32),
        pltpu.VMEM_SHARED((NPAD,), jnp.float32),
        pltpu.VMEM_SHARED((NPAD,), jnp.float32),
        pltpu.VMEM_SHARED((NPAD,), jnp.float32),
        pltpu.VMEM_SHARED((NPAD,), jnp.float32),
    ] + [pltpu.SemaphoreType.DMA] * 13,
)(_sc_body)


BN = 6272


def _combine_body(x_ref, acc_ref, o_ref):
    a = acc_ref[0] + acc_ref[1]
    deg = a[4:5, :]
    o_ref[...] = x_ref[...] * (1.0 + deg) + a[0:4, :]


def _combine(x4, accs):
    return pl.pallas_call(
        _combine_body,
        out_shape=jax.ShapeDtypeStruct((T, N), jnp.float32),
        grid=(NPAD // BN,),
        in_specs=[
            pl.BlockSpec((T, BN), lambda j: (0, j)),
            pl.BlockSpec((NC, 5, BN), lambda j: (0, 0, j)),
        ],
        out_specs=pl.BlockSpec((T, BN), lambda j: (0, j)),
    )(x4, accs)


@jax.jit
def kernel(x, edge_index, edge_attr, velocity, diff_param):
    x4 = x.reshape(T, N)
    src = edge_index[0].astype(jnp.int32)
    dst = edge_index[1].astype(jnp.int32)
    ea0 = edge_attr[:, 0]
    ea1 = edge_attr[:, 1]
    pv0 = jnp.full((L,), velocity[0], jnp.float32)
    pv1 = jnp.full((L,), velocity[1], jnp.float32)
    pdp = jnp.full((L,), diff_param[0], jnp.float32)
    accs = _sc_call(x4[0], x4[1], x4[2], x4[3], src, dst, ea0, ea1,
                    pv0, pv1, pdp)
    out4 = _combine(x4, accs.reshape(NC, 5, NPAD))
    return out4.reshape(x.shape)

# --- scband reference (transcript-rebuilt; emitter-appended) ---
"""Pipeline reference for scband-temporal-dgmrf-53893249630426 (READ-ONLY COPY).

The authoritative reference and input builder live on the scoring server;
editing this copy changes nothing except your own understanding.
"""

import jax, jax.numpy as jnp
import numpy as np

N_NODES = 100000
N_EDGES = 1600000
B = 1
T = 4

def setup_inputs(seed: int = 0) -> dict:
    key = jax.random.key(seed)
    k1, k2, k3, k4, k5 = jax.random.split(key, 5)
    x = jax.random.normal(k1, (B, T, N_NODES), dtype=jnp.float32)
    edge_index = jax.random.randint(k2, (2, N_EDGES), 0, N_NODES, dtype=jnp.int64)
    edge_attr = jax.random.normal(k3, (N_EDGES, 2), dtype=jnp.float32)
    # learned parameters (AdvectionDiffusionModel core of TemporalDGMRF)
    velocity = 2.0 * jax.random.uniform(k4, (2,), dtype=jnp.float32) - 1.0
    diff_param = 2.0 * jax.random.uniform(k5, (1,), dtype=jnp.float32) - 1.0
    return {"x": x, "edge_index": edge_index, "edge_attr": edge_attr,
            "velocity": velocity, "diff_param": diff_param}


def reference(x, edge_index, edge_attr, velocity, diff_param):
    # AdvectionDiffusionModel.forward (transpose=False):
    #   x_{t+1} = x + agg_j + agg_i
    # flow='target_to_source': i = edge_index[0] (source), j = edge_index[1] (target),
    # aggregation (scatter-add) at node i = edge_index[0], along node_dim=-1.
    src = edge_index[0]
    dst = edge_index[1]
    adv_coef = -0.5 * (edge_attr * velocity).sum(axis=1)      # [E]
    diff_coeff = jnp.power(diff_param, 2)                      # [1]
    x_i = x[..., src]                                          # [B, T, E] gather
    x_j = x[..., dst]                                          # [B, T, E] gather
    msg_i = (adv_coef - diff_coeff) * x_i                      # [B, T, E]
    msg_j = (adv_coef + diff_coeff) * x_j                      # [B, T, E]
    zeros = jnp.zeros_like(x)
    agg_i = zeros.at[..., src].add(msg_i)                      # scatter-add over last dim
    agg_j = zeros.at[..., src].add(msg_j)
    update = agg_j + agg_i
    return x + update


if False:  # reference __main__ guard neutralized (emitter)
    inp = setup_inputs()
    out = reference(**inp)
    print(out.shape, out.dtype)

if __name__ == "__main__":
    import jax
    _d = setup_inputs()
    print(jax.jit(kernel)(*tuple(_d.values())))

</pallas_src>

<mosaic_0001>
#map = affine_map<(d0, d1) -> (0)>
module attributes {stable_mosaic.version = 14 : i64} {
  func.func @_sc_body(%arg0: i32, %arg1: i32, %arg2: memref<100000xf32, #tpu.memory_space<hbm>>, %arg3: memref<100000xf32, #tpu.memory_space<hbm>>, %arg4: memref<100000xf32, #tpu.memory_space<hbm>>, %arg5: memref<100000xf32, #tpu.memory_space<hbm>>, %arg6: memref<1600000xi32, #tpu.memory_space<hbm>>, %arg7: memref<1600000xi32, #tpu.memory_space<hbm>>, %arg8: memref<1600000xf32, #tpu.memory_space<hbm>>, %arg9: memref<1600000xf32, #tpu.memory_space<hbm>>, %arg10: memref<16xf32, #tpu.memory_space<hbm>>, %arg11: memref<16xf32, #tpu.memory_space<hbm>>, %arg12: memref<16xf32, #tpu.memory_space<hbm>>, %arg13: memref<1003520xf32, #tpu.memory_space<hbm>>, %arg14: memref<16xf32, #tpu.memory_space<vmem>>, %arg15: memref<16xf32, #tpu.memory_space<vmem>>, %arg16: memref<16xf32, #tpu.memory_space<vmem>>, %arg17: memref<10000xi32, #tpu.memory_space<vmem>>, %arg18: memref<10000xi32, #tpu.memory_space<vmem>>, %arg19: memref<10000xf32, #tpu.memory_space<vmem>>, %arg20: memref<10000xf32, #tpu.memory_space<vmem>>, %arg21: memref<10000xf32, #tpu.memory_space<vmem>>, %arg22: memref<10000xf32, #tpu.memory_space<vmem>>, %arg23: memref<10000xf32, #tpu.memory_space<vmem>>, %arg24: memref<10000xf32, #tpu.memory_space<vmem>>, %arg25: memref<10000xf32, #tpu.memory_space<vmem>>, %arg26: memref<100352xf32, #tpu.memory_space<vmem_shared>>, %arg27: memref<100352xf32, #tpu.memory_space<vmem_shared>>, %arg28: memref<100352xf32, #tpu.memory_space<vmem_shared>>, %arg29: memref<100352xf32, #tpu.memory_space<vmem_shared>>, %arg30: memref<100352xf32, #tpu.memory_space<vmem_shared>>, %arg31: memref<!tpu.dma_semaphore, #tpu.memory_space<semaphore_mem>>, %arg32: memref<!tpu.dma_semaphore, #tpu.memory_space<semaphore_mem>>, %arg33: memref<!tpu.dma_semaphore, #tpu.memory_space<semaphore_mem>>, %arg34: memref<!tpu.dma_semaphore, #tpu.memory_space<semaphore_mem>>, %arg35: memref<!tpu.dma_semaphore, #tpu.memory_space<semaphore_mem>>, %arg36: memref<!tpu.dma_semaphore, #tpu.memory_space<semaphore_mem>>, %arg37: memref<!tpu.dma_semaphore, #tpu.memory_space<semaphore_mem>>, %arg38: memref<!tpu.dma_semaphore, #tpu.memory_space<semaphore_mem>>, %arg39: memref<!tpu.dma_semaphore, #tpu.memory_space<semaphore_mem>>, %arg40: memref<!tpu.dma_semaphore, #tpu.memory_space<semaphore_mem>>, %arg41: memref<!tpu.dma_semaphore, #tpu.memory_space<semaphore_mem>>, %arg42: memref<!tpu.dma_semaphore, #tpu.memory_space<semaphore_mem>>, %arg43: memref<!tpu.dma_semaphore, #tpu.memory_space<semaphore_mem>>) attributes {dimension_semantics = [#tpu.dimension_semantics<core_parallel>, #tpu.dimension_semantics<subcore_parallel>], iteration_bounds = array<i64: 2, 16>, scalar_prefetch = 0 : i64, scratch_operands = 30 : i64, tpu.core_type = #tpu.core_type<sc_vector_subcore>, window_params = [{transform_indices = #map}, {transform_indices = #map}, {transform_indices = #map}, {transform_indices = #map}, {transform_indices = #map}, {transform_indices = #map}, {transform_indices = #map}, {transform_indices = #map}, {transform_indices = #map}, {transform_indices = #map}, {transform_indices = #map}, {transform_indices = #map}]} {
    %mul3A = arith.constant 2 : i32
    %mul3A_0 = arith.muli %arg1, %mul3A : i32
    %add3A = arith.addi %mul3A_0, %arg0 : i32
    "tpu.region"() ({
      %run_scoped3A = tpu.sem_alloc : memref<!tpu.dma_semaphore, #tpu.memory_space<semaphore_mem>>
      tpu.enqueue_dma source(%arg10 : memref<16xf32, #tpu.memory_space<hbm>>) target(%arg14 : memref<16xf32, #tpu.memory_space<vmem>>) target_semaphore(%run_scoped3A : memref<!tpu.dma_semaphore, #tpu.memory_space<semaphore_mem>>)
      tpu.wait_dma2 semaphore(%run_scoped3A : memref<!tpu.dma_semaphore, #tpu.memory_space<semaphore_mem>>) src(%arg10 : memref<16xf32, #tpu.memory_space<hbm>>) dst(%arg14 : memref<16xf32, #tpu.memory_space<vmem>>)
      tpu.yield
    }) : () -> ()
    "tpu.region"() ({
      %run_scoped3A = tpu.sem_alloc : memref<!tpu.dma_semaphore, #tpu.memory_space<semaphore_mem>>
      tpu.enqueue_dma source(%arg11 : memref<16xf32, #tpu.memory_space<hbm>>) target(%arg15 : memref<16xf32, #tpu.memory_space<vmem>>) target_semaphore(%run_scoped3A : memref<!tpu.dma_semaphore, #tpu.memory_space<semaphore_mem>>)
      tpu.wait_dma2 semaphore(%run_scoped3A : memref<!tpu.dma_semaphore, #tpu.memory_space<semaphore_mem>>) src(%arg11 : memref<16xf32, #tpu.memory_space<hbm>>) dst(%arg15 : memref<16xf32, #tpu.memory_space<vmem>>)
      tpu.yield
    }) : () -> ()
    "tpu.region"() ({
      %run_scoped3A = tpu.sem_alloc : memref<!tpu.dma_semaphore, #tpu.memory_space<semaphore_mem>>
      tpu.enqueue_dma source(%arg12 : memref<16xf32, #tpu.memory_space<hbm>>) target(%arg16 : memref<16xf32, #tpu.memory_space<vmem>>) target_semaphore(%run_scoped3A : memref<!tpu.dma_semaphore, #tpu.memory_space<semaphore_mem>>)
      tpu.wait_dma2 semaphore(%run_scoped3A : memref<!tpu.dma_semaphore, #tpu.memory_space<semaphore_mem>>) src(%arg12 : memref<16xf32, #tpu.memory_space<hbm>>) dst(%arg16 : memref<16xf32, #tpu.memory_space<vmem>>)
      tpu.yield
    }) : () -> ()
    %get3A = arith.constant 0 : index
    %get3A_1 = tpu.vector_load %arg14[%get3A] {strides = array<i32>} : memref<16xf32, #tpu.memory_space<vmem>>, vector<16xf32>,
    %get3A_2 = arith.constant 0 : index
    %get3A_3 = tpu.vector_load %arg15[%get3A_2] {strides = array<i32>} : memref<16xf32, #tpu.memory_space<vmem>>, vector<16xf32>,
    %get3A_4 = arith.constant 0 : index
    %get3A_5 = tpu.vector_load %arg16[%get3A_4] {strides = array<i32>} : memref<16xf32, #tpu.memory_space<vmem>>, vector<16xf32>,
    %mul3A_6 = arith.mulf %get3A_5, %get3A_5 : vector<16xf32>
    %scan3A = arith.constant 0 : i32
    %scan3A_7 = arith.constant 0 : i32
    %scan3A_8 = arith.constant 392 : i32
    %scan3A_9 = arith.addi %scan3A_7, %scan3A_8 : i32
    %scan3A_10 = arith.constant 1 : i32
    scf.for %scan3A_61 = %scan3A_7 to %scan3A_9 step %scan3A_10  : i32 {
      %broadcast_in_dim3A = arith.constant 0.000000e+00 : f32
      %broadcast_in_dim3A_62 = vector.broadcast %broadcast_in_dim3A : f32 to vector<16xf32>
      %mul3A_63 = arith.constant 16 : i32
      %mul3A_64 = arith.muli %scan3A_61, %mul3A_63 : i32
      %swap3A = arith.index_cast %mul3A_64 : i32 to index
      %swap3A_65 = tpu.vector_load %arg19[%swap3A] {strides = array<i32>} : memref<10000xf32, #tpu.memory_space<vmem>>, vector<16xf32>,
      tpu.vector_store %arg19[%swap3A], %broadcast_in_dim3A_62 {strides = array<i32>} : memref<10000xf32, #tpu.memory_space<vmem>>, vector<16xf32>,
    }
    %scan3A_11 = arith.constant 392 : i32
    %mul3A_12 = arith.constant 6272 : i32
    %mul3A_13 = arith.muli %arg1, %mul3A_12 : i32
    %multiple_of3A = tpu.assume_multiple %mul3A_13, 8 : i32
    "tpu.region"() ({
      %run_scoped3A = tpu.sem_alloc : memref<!tpu.dma_semaphore, #tpu.memory_space<semaphore_mem>>
      %dma_start3A = arith.constant 0 : i32
      %dma_start3A_61 = tpu.memref_slice %arg19[%dma_start3A] : memref<10000xf32, #tpu.memory_space<vmem>> -> memref<6272xf32, #tpu.memory_space<vmem>>
      %dma_start3A_62 = tpu.memref_slice %arg26[%multiple_of3A] : memref<100352xf32, #tpu.memory_space<vmem_shared>> -> memref<6272xf32, #tpu.memory_space<vmem_shared>>
      %dma_start3A_63 = tpu.memref_slice %arg26[%multiple_of3A] : memref<100352xf32, #tpu.memory_space<vmem_shared>> -> memref<6272xf32, #tpu.memory_space<vmem_shared>>
      %dma_start3A_64 = arith.constant 0 : i32
      %dma_start3A_65 = tpu.memref_slice %arg19[%dma_start3A_64] : memref<10000xf32, #tpu.memory_space<vmem>> -> memref<6272xf32, #tpu.memory_space<vmem>>
      tpu.enqueue_dma source(%dma_start3A_65 : memref<6272xf32, #tpu.memory_space<vmem>>) target(%dma_start3A_63 : memref<6272xf32, #tpu.memory_space<vmem_shared>>) target_semaphore(%run_scoped3A : memref<!tpu.dma_semaphore, #tpu.memory_space<semaphore_mem>>)
      %dma_wait3A = arith.constant 0 : i32
      %dma_wait3A_66 = tpu.memref_slice %arg19[%dma_wait3A] : memref<10000xf32, #tpu.memory_space<vmem>> -> memref<6272xf32, #tpu.memory_space<vmem>>
      %dma_wait3A_67 = tpu.memref_slice %arg26[%multiple_of3A] : memref<100352xf32, #tpu.memory_space<vmem_shared>> -> memref<6272xf32, #tpu.memory_space<vmem_shared>>
      %dma_wait3A_68 = tpu.memref_slice %arg26[%multiple_of3A] : memref<100352xf32, #tpu.memory_space<vmem_shared>> -> memref<6272xf32, #tpu.memory_space<vmem_shared>>
      %dma_wait3A_69 = arith.constant 0 : i32
      %dma_wait3A_70 = tpu.memref_slice %arg19[%dma_wait3A_69] : memref<10000xf32, #tpu.memory_space<vmem>> -> memref<6272xf32, #tpu.memory_space<vmem>>
      tpu.wait_dma2 semaphore(%run_scoped3A : memref<!tpu.dma_semaphore, #tpu.memory_space<semaphore_mem>>) src(%dma_wait3A_70 : memref<6272xf32, #tpu.memory_space<vmem>>) dst(%dma_wait3A_68 : memref<6272xf32, #tpu.memory_space<vmem_shared>>)
      tpu.yield
    }) : () -> ()
    "tpu.region"() ({
      %run_scoped3A = tpu.sem_alloc : memref<!tpu.dma_semaphore, #tpu.memory_space<semaphore_mem>>
      %dma_start3A = arith.constant 0 : i32
      %dma_start3A_61 = tpu.memref_slice %arg19[%dma_start3A] : memref<10000xf32, #tpu.memory_space<vmem>> -> memref<6272xf32, #tpu.memory_space<vmem>>
      %dma_start3A_62 = tpu.memref_slice %arg27[%multiple_of3A] : memref<100352xf32, #tpu.memory_space<vmem_shared>> -> memref<6272xf32, #tpu.memory_space<vmem_shared>>
      %dma_start3A_63 = tpu.memref_slice %arg27[%multiple_of3A] : memref<100352xf32, #tpu.memory_space<vmem_shared>> -> memref<6272xf32, #tpu.memory_space<vmem_shared>>
      %dma_start3A_64 = arith.constant 0 : i32
      %dma_start3A_65 = tpu.memref_slice %arg19[%dma_start3A_64] : memref<10000xf32, #tpu.memory_space<vmem>> -> memref<6272xf32, #tpu.memory_space<vmem>>
      tpu.enqueue_dma source(%dma_start3A_65 : memref<6272xf32, #tpu.memory_space<vmem>>) target(%dma_start3A_63 : memref<6272xf32, #tpu.memory_space<vmem_shared>>) target_semaphore(%run_scoped3A : memref<!tpu.dma_semaphore, #tpu.memory_space<semaphore_mem>>)
      %dma_wait3A = arith.constant 0 : i32
      %dma_wait3A_66 = tpu.memref_slice %arg19[%dma_wait3A] : memref<10000xf32, #tpu.memory_space<vmem>> -> memref<6272xf32, #tpu.memory_space<vmem>>
      %dma_wait3A_67 = tpu.memref_slice %arg27[%multiple_of3A] : memref<100352xf32, #tpu.memory_space<vmem_shared>> -> memref<6272xf32, #tpu.memory_space<vmem_shared>>
      %dma_wait3A_68 = tpu.memref_slice %arg27[%multiple_of3A] : memref<100352xf32, #tpu.memory_space<vmem_shared>> -> memref<6272xf32, #tpu.memory_space<vmem_shared>>
      %dma_wait3A_69 = arith.constant 0 : i32
      %dma_wait3A_70 = tpu.memref_slice %arg19[%dma_wait3A_69] : memref<10000xf32, #tpu.memory_space<vmem>> -> memref<6272xf32, #tpu.memory_space<vmem>>
      tpu.wait_dma2 semaphore(%run_scoped3A : memref<!tpu.dma_semaphore, #tpu.memory_space<semaphore_mem>>) src(%dma_wait3A_70 : memref<6272xf32, #tpu.memory_space<vmem>>) dst(%dma_wait3A_68 : memref<6272xf32, #tpu.memory_space<vmem_shared>>)
      tpu.yield
    }) : () -> ()
    "tpu.region"() ({
      %run_scoped3A = tpu.sem_alloc : memref<!tpu.dma_semaphore, #tpu.memory_space<semaphore_mem>>
      %dma_start3A = arith.constant 0 : i32
      %dma_start3A_61 = tpu.memref_slice %arg19[%dma_start3A] : memref<10000xf32, #tpu.memory_space<vmem>> -> memref<6272xf32, #tpu.memory_space<vmem>>
      %dma_start3A_62 = tpu.memref_slice %arg28[%multiple_of3A] : memref<100352xf32, #tpu.memory_space<vmem_shared>> -> memref<6272xf32, #tpu.memory_space<vmem_shared>>
      %dma_start3A_63 = tpu.memref_slice %arg28[%multiple_of3A] : memref<100352xf32, #tpu.memory_space<vmem_shared>> -> memref<6272xf32, #tpu.memory_space<vmem_shared>>
      %dma_start3A_64 = arith.constant 0 : i32
      %dma_start3A_65 = tpu.memref_slice %arg19[%dma_start3A_64] : memref<10000xf32, #tpu.memory_space<vmem>> -> memref<6272xf32, #tpu.memory_space<vmem>>
      tpu.enqueue_dma source(%dma_start3A_65 : memref<6272xf32, #tpu.memory_space<vmem>>) target(%dma_start3A_63 : memref<6272xf32, #tpu.memory_space<vmem_shared>>) target_semaphore(%run_scoped3A : memref<!tpu.dma_semaphore, #tpu.memory_space<semaphore_mem>>)
      %dma_wait3A = arith.constant 0 : i32
      %dma_wait3A_66 = tpu.memref_slice %arg19[%dma_wait3A] : memref<10000xf32, #tpu.memory_space<vmem>> -> memref<6272xf32, #tpu.memory_space<vmem>>
      %dma_wait3A_67 = tpu.memref_slice %arg28[%multiple_of3A] : memref<100352xf32, #tpu.memory_space<vmem_shared>> -> memref<6272xf32, #tpu.memory_space<vmem_shared>>
      %dma_wait3A_68 = tpu.memref_slice %arg28[%multiple_of3A] : memref<100352xf32, #tpu.memory_space<vmem_shared>> -> memref<6272xf32, #tpu.memory_space<vmem_shared>>
      %dma_wait3A_69 = arith.constant 0 : i32
      %dma_wait3A_70 = tpu.memref_slice %arg19[%dma_wait3A_69] : memref<10000xf32, #tpu.memory_space<vmem>> -> memref<6272xf32, #tpu.memory_space<vmem>>
      tpu.wait_dma2 semaphore(%run_scoped3A : memref<!tpu.dma_semaphore, #tpu.memory_space<semaphore_mem>>) src(%dma_wait3A_70 : memref<6272xf32, #tpu.memory_space<vmem>>) dst(%dma_wait3A_68 : memref<6272xf32, #tpu.memory_space<vmem_shared>>)
      tpu.yield
    }) : () -> ()
    "tpu.region"() ({
      %run_scoped3A = tpu.sem_alloc : memref<!tpu.dma_semaphore, #tpu.memory_space<semaphore_mem>>
      %dma_start3A = arith.constant 0 : i32
      %dma_start3A_61 = tpu.memref_slice %arg19[%dma_start3A] : memref<10000xf32, #tpu.memory_space<vmem>> -> memref<6272xf32, #tpu.memory_space<vmem>>
      %dma_start3A_62 = tpu.memref_slice %arg29[%multiple_of3A] : memref<100352xf32, #tpu.memory_space<vmem_shared>> -> memref<6272xf32, #tpu.memory_space<vmem_shared>>
      %dma_start3A_63 = tpu.memref_slice %arg29[%multiple_of3A] : memref<100352xf32, #tpu.memory_space<vmem_shared>> -> memref<6272xf32, #tpu.memory_space<vmem_shared>>
      %dma_start3A_64 = arith.constant 0 : i32
      %dma_start3A_65 = tpu.memref_slice %arg19[%dma_start3A_64] : memref<10000xf32, #tpu.memory_space<vmem>> -> memref<6272xf32, #tpu.memory_space<vmem>>
      tpu.enqueue_dma source(%dma_start3A_65 : memref<6272xf32, #tpu.memory_space<vmem>>) target(%dma_start3A_63 : memref<6272xf32, #tpu.memory_space<vmem_shared>>) target_semaphore(%run_scoped3A : memref<!tpu.dma_semaphore, #tpu.memory_space<semaphore_mem>>)
      %dma_wait3A = arith.constant 0 : i32
      %dma_wait3A_66 = tpu.memref_slice %arg19[%dma_wait3A] : memref<10000xf32, #tpu.memory_space<vmem>> -> memref<6272xf32, #tpu.memory_space<vmem>>
      %dma_wait3A_67 = tpu.memref_slice %arg29[%multiple_of3A] : memref<100352xf32, #tpu.memory_space<vmem_shared>> -> memref<6272xf32, #tpu.memory_space<vmem_shared>>
      %dma_wait3A_68 = tpu.memref_slice %arg29[%multiple_of3A] : memref<100352xf32, #tpu.memory_space<vmem_shared>> -> memref<6272xf32, #tpu.memory_space<vmem_shared>>
      %dma_wait3A_69 = arith.constant 0 : i32
      %dma_wait3A_70 = tpu.memref_slice %arg19[%dma_wait3A_69] : memref<10000xf32, #tpu.memory_space<vmem>> -> memref<6272xf32, #tpu.memory_space<vmem>>
      tpu.wait_dma2 semaphore(%run_scoped3A : memref<!tpu.dma_semaphore, #tpu.memory_space<semaphore_mem>>) src(%dma_wait3A_70 : memref<6272xf32, #tpu.memory_space<vmem>>) dst(%dma_wait3A_68 : memref<6272xf32, #tpu.memory_space<vmem_shared>>)
      tpu.yield
    }) : () -> ()
    "tpu.region"() ({
      %run_scoped3A = tpu.sem_alloc : memref<!tpu.dma_semaphore, #tpu.memory_space<semaphore_mem>>
      %dma_start3A = arith.constant 0 : i32
      %dma_start3A_61 = tpu.memref_slice %arg19[%dma_start3A] : memref<10000xf32, #tpu.memory_space<vmem>> -> memref<6272xf32, #tpu.memory_space<vmem>>
      %dma_start3A_62 = tpu.memref_slice %arg30[%multiple_of3A] : memref<100352xf32, #tpu.memory_space<vmem_shared>> -> memref<6272xf32, #tpu.memory_space<vmem_shared>>
      %dma_start3A_63 = tpu.memref_slice %arg30[%multiple_of3A] : memref<100352xf32, #tpu.memory_space<vmem_shared>> -> memref<6272xf32, #tpu.memory_space<vmem_shared>>
      %dma_start3A_64 = arith.constant 0 : i32
      %dma_start3A_65 = tpu.memref_slice %arg19[%dma_start3A_64] : memref<10000xf32, #tpu.memory_space<vmem>> -> memref<6272xf32, #tpu.memory_space<vmem>>
      tpu.enqueue_dma source(%dma_start3A_65 : memref<6272xf32, #tpu.memory_space<vmem>>) target(%dma_start3A_63 : memref<6272xf32, #tpu.memory_space<vmem_shared>>) target_semaphore(%run_scoped3A : memref<!tpu.dma_semaphore, #tpu.memory_space<semaphore_mem>>)
      %dma_wait3A = arith.constant 0 : i32
      %dma_wait3A_66 = tpu.memref_slice %arg19[%dma_wait3A] : memref<10000xf32, #tpu.memory_space<vmem>> -> memref<6272xf32, #tpu.memory_space<vmem>>
      %dma_wait3A_67 = tpu.memref_slice %arg30[%multiple_of3A] : memref<100352xf32, #tpu.memory_space<vmem_shared>> -> memref<6272xf32, #tpu.memory_space<vmem_shared>>
      %dma_wait3A_68 = tpu.memref_slice %arg30[%multiple_of3A] : memref<100352xf32, #tpu.memory_space<vmem_shared>> -> memref<6272xf32, #tpu.memory_space<vmem_shared>>
      %dma_wait3A_69 = arith.constant 0 : i32
      %dma_wait3A_70 = tpu.memref_slice %arg19[%dma_wait3A_69] : memref<10000xf32, #tpu.memory_space<vmem>> -> memref<6272xf32, #tpu.memory_space<vmem>>
      tpu.wait_dma2 semaphore(%run_scoped3A : memref<!tpu.dma_semaphore, #tpu.memory_space<semaphore_mem>>) src(%dma_wait3A_70 : memref<6272xf32, #tpu.memory_space<vmem>>) dst(%dma_wait3A_68 : memref<6272xf32, #tpu.memory_space<vmem_shared>>)
      tpu.yield
    }) : () -> ()
    %barrier3A = arith.constant 0 : index
    tpu.barrier barrier_id(%barrier3A)
    %scan3A_14 = arith.constant 0 : i32
    %scan3A_15 = arith.constant 0 : i32
    %scan3A_16 = arith.constant 5 : i32
    %scan3A_17 = arith.addi %scan3A_15, %scan3A_16 : i32
    %scan3A_18 = arith.constant 1 : i32
    scf.for %scan3A_61 = %scan3A_15 to %scan3A_17 step %scan3A_18  : i32 {
      %mul3A_62 = arith.constant 50000 : i32
      %mul3A_63 = arith.muli %add3A, %mul3A_62 : i32
      %mul3A_64 = arith.constant 10000 : i32
      %mul3A_65 = arith.muli %scan3A_61, %mul3A_64 : i32
      %add3A_66 = arith.addi %mul3A_63, %mul3A_65 : i32
      %multiple_of3A_67 = tpu.assume_multiple %add3A_66, 8 : i32
      %dma_start3A = tpu.memref_slice %arg6[%multiple_of3A_67] : memref<1600000xi32, #tpu.memory_space<hbm>> -> memref<10000xi32, #tpu.memory_space<hbm>>
      %dma_start3A_68 = tpu.memref_slice %arg6[%multiple_of3A_67] : memref<1600000xi32, #tpu.memory_space<hbm>> -> memref<10000xi32, #tpu.memory_space<hbm>>
      tpu.enqueue_dma source(%dma_start3A_68 : memref<10000xi32, #tpu.memory_space<hbm>>) target(%arg17 : memref<10000xi32, #tpu.memory_space<vmem>>) target_semaphore(%arg40 : memref<!tpu.dma_semaphore, #tpu.memory_space<semaphore_mem>>)
      %dma_start3A_69 = tpu.memref_slice %arg7[%multiple_of3A_67] : memref<1600000xi32, #tpu.memory_space<hbm>> -> memref<10000xi32, #tpu.memory_space<hbm>>
      %dma_start3A_70 = tpu.memref_slice %arg7[%multiple_of3A_67] : memref<1600000xi32, #tpu.memory_space<hbm>> -> memref<10000xi32, #tpu.memory_space<hbm>>
      tpu.enqueue_dma source(%dma_start3A_70 : memref<10000xi32, #tpu.memory_space<hbm>>) target(%arg18 : memref<10000xi32, #tpu.memory_space<vmem>>) target_semaphore(%arg41 : memref<!tpu.dma_semaphore, #tpu.memory_space<semaphore_mem>>)
      %dma_start3A_71 = tpu.memref_slice %arg8[%multiple_of3A_67] : memref<1600000xf32, #tpu.memory_space<hbm>> -> memref<10000xf32, #tpu.memory_space<hbm>>
      %dma_start3A_72 = tpu.memref_slice %arg8[%multiple_of3A_67] : memref<1600000xf32, #tpu.memory_space<hbm>> -> memref<10000xf32, #tpu.memory_space<hbm>>
      tpu.enqueue_dma source(%dma_start3A_72 : memref<10000xf32, #tpu.memory_space<hbm>>) target(%arg19 : memref<10000xf32, #tpu.memory_space<vmem>>) target_semaphore(%arg42 : memref<!tpu.dma_semaphore, #tpu.memory_space<semaphore_mem>>)
      %dma_start3A_73 = tpu.memref_slice %arg9[%multiple_of3A_67] : memref<1600000xf32, #tpu.memory_space<hbm>> -> memref<10000xf32, #tpu.memory_space<hbm>>
      %dma_start3A_74 = tpu.memref_slice %arg9[%multiple_of3A_67] : memref<1600000xf32, #tpu.memory_space<hbm>> -> memref<10000xf32, #tpu.memory_space<hbm>>
      tpu.enqueue_dma source(%dma_start3A_74 : memref<10000xf32, #tpu.memory_space<hbm>>) target(%arg20 : memref<10000xf32, #tpu.memory_space<vmem>>) target_semaphore(%arg43 : memref<!tpu.dma_semaphore, #tpu.memory_space<semaphore_mem>>)
      %dma_wait3A = tpu.memref_slice %arg7[%multiple_of3A_67] : memref<1600000xi32, #tpu.memory_space<hbm>> -> memref<10000xi32, #tpu.memory_space<hbm>>
      %dma_wait3A_75 = tpu.memref_slice %arg7[%multiple_of3A_67] : memref<1600000xi32, #tpu.memory_space<hbm>> -> memref<10000xi32, #tpu.memory_space<hbm>>
      tpu.wait_dma2 semaphore(%arg41 : memref<!tpu.dma_semaphore, #tpu.memory_space<semaphore_mem>>) src(%dma_wait3A_75 : memref<10000xi32, #tpu.memory_space<hbm>>) dst(%arg18 : memref<10000xi32, #tpu.memory_space<vmem>>)
      %dma_start3A_76 = arith.constant 0 : i32
      %dma_start3A_77 = tpu.memref_slice %arg2[%dma_start3A_76] : memref<100000xf32, #tpu.memory_space<hbm>> -> memref<100000xf32, #tpu.memory_space<hbm>>
      tpu.enqueue_indirect_dma source(%dma_start3A_77 : memref<100000xf32, #tpu.memory_space<hbm>>) target(%arg22 : memref<10000xf32, #tpu.memory_space<vmem>>) offsets(%arg18 : memref<10000xi32, #tpu.memory_space<vmem>>) semaphore(%arg31 : memref<!tpu.dma_semaphore, #tpu.memory_space<semaphore_mem>>)
      %dma_start3A_78 = arith.constant 0 : i32
      %dma_start3A_79 = tpu.memref_slice %arg3[%dma_start3A_78] : memref<100000xf32, #tpu.memory_space<hbm>> -> memref<100000xf32, #tpu.memory_space<hbm>>
      tpu.enqueue_indirect_dma source(%dma_start3A_79 : memref<100000xf32, #tpu.memory_space<hbm>>) target(%arg23 : memref<10000xf32, #tpu.memory_space<vmem>>) offsets(%arg18 : memref<10000xi32, #tpu.memory_space<vmem>>) semaphore(%arg32 : memref<!tpu.dma_semaphore, #tpu.memory_space<semaphore_mem>>)
      %dma_start3A_80 = arith.constant 0 : i32
      %dma_start3A_81 = tpu.memref_slice %arg4[%dma_start3A_80] : memref<100000xf32, #tpu.memory_space<hbm>> -> memref<100000xf32, #tpu.memory_space<hbm>>
      tpu.enqueue_indirect_dma source(%dma_start3A_81 : memref<100000xf32, #tpu.memory_space<hbm>>) target(%arg24 : memref<10000xf32, #tpu.memory_space<vmem>>) offsets(%arg18 : memref<10000xi32, #tpu.memory_space<vmem>>) semaphore(%arg33 : memref<!tpu.dma_semaphore, #tpu.memory_space<semaphore_mem>>)
      %dma_start3A_82 = arith.constant 0 : i32
      %dma_start3A_83 = tpu.memref_slice %arg5[%dma_start3A_82] : memref<100000xf32, #tpu.memory_space<hbm>> -> memref<100000xf32, #tpu.memory_space<hbm>>
      tpu.enqueue_indirect_dma source(%dma_start3A_83 : memref<100000xf32, #tpu.memory_space<hbm>>) target(%arg25 : memref<10000xf32, #tpu.memory_space<vmem>>) offsets(%arg18 : memref<10000xi32, #tpu.memory_space<vmem>>) semaphore(%arg34 : memref<!tpu.dma_semaphore, #tpu.memory_space<semaphore_mem>>)
      %dma_wait3A_84 = tpu.memref_slice %arg8[%multiple_of3A_67] : memref<1600000xf32, #tpu.memory_space<hbm>> -> memref<10000xf32, #tpu.memory_space<hbm>>
      %dma_wait3A_85 = tpu.memref_slice %arg8[%multiple_of3A_67] : memref<1600000xf32, #tpu.memory_space<hbm>> -> memref<10000xf32, #tpu.memory_space<hbm>>
      tpu.wait_dma2 semaphore(%arg42 : memref<!tpu.dma_semaphore, #tpu.memory_space<semaphore_mem>>) src(%dma_wait3A_85 : memref<10000xf32, #tpu.memory_space<hbm>>) dst(%arg19 : memref<10000xf32, #tpu.memory_space<vmem>>)
      %dma_wait3A_86 = tpu.memref_slice %arg9[%multiple_of3A_67] : memref<1600000xf32, #tpu.memory_space<hbm>> -> memref<10000xf32, #tpu.memory_space<hbm>>
      %dma_wait3A_87 = tpu.memref_slice %arg9[%multiple_of3A_67] : memref<1600000xf32, #tpu.memory_space<hbm>> -> memref<10000xf32, #tpu.memory_space<hbm>>
      tpu.wait_dma2 semaphore(%arg43 : memref<!tpu.dma_semaphore, #tpu.memory_space<semaphore_mem>>) src(%dma_wait3A_87 : memref<10000xf32, #tpu.memory_space<hbm>>) dst(%arg20 : memref<10000xf32, #tpu.memory_space<vmem>>)
      %dma_wait3A_88 = tpu.memref_slice %arg6[%multiple_of3A_67] : memref<1600000xi32, #tpu.memory_space<hbm>> -> memref<10000xi32, #tpu.memory_space<hbm>>
      %dma_wait3A_89 = tpu.memref_slice %arg6[%multiple_of3A_67] : memref<1600000xi32, #tpu.memory_space<hbm>> -> memref<10000xi32, #tpu.memory_space<hbm>>
      tpu.wait_dma2 semaphore(%arg40 : memref<!tpu.dma_semaphore, #tpu.memory_space<semaphore_mem>>) src(%dma_wait3A_89 : memref<10000xi32, #tpu.memory_space<hbm>>) dst(%arg17 : memref<10000xi32, #tpu.memory_space<vmem>>)
      %dma_wait3A_90 = arith.constant 0 : i32
      %dma_wait3A_91 = tpu.memref_slice %arg2[%dma_wait3A_90] : memref<100000xf32, #tpu.memory_space<hbm>> -> memref<100000xf32, #tpu.memory_space<hbm>>
      tpu.wait_indirect_dma semaphore(%arg31 : memref<!tpu.dma_semaphore, #tpu.memory_space<semaphore_mem>>) src(%dma_wait3A_91 : memref<100000xf32, #tpu.memory_space<hbm>>) dst(%arg22 : memref<10000xf32, #tpu.memory_space<vmem>>)
      %dma_wait3A_92 = arith.constant 0 : i32
      %dma_wait3A_93 = tpu.memref_slice %arg3[%dma_wait3A_92] : memref<100000xf32, #tpu.memory_space<hbm>> -> memref<100000xf32, #tpu.memory_space<hbm>>
      tpu.wait_indirect_dma semaphore(%arg32 : memref<!tpu.dma_semaphore, #tpu.memory_space<semaphore_mem>>) src(%dma_wait3A_93 : memref<100000xf32, #tpu.memory_space<hbm>>) dst(%arg23 : memref<10000xf32, #tpu.memory_space<vmem>>)
      %dma_wait3A_94 = arith.constant 0 : i32
      %dma_wait3A_95 = tpu.memref_slice %arg4[%dma_wait3A_94] : memref<100000xf32, #tpu.memory_space<hbm>> -> memref<100000xf32, #tpu.memory_space<hbm>>
      tpu.wait_indirect_dma semaphore(%arg33 : memref<!tpu.dma_semaphore, #tpu.memory_space<semaphore_mem>>) src(%dma_wait3A_95 : memref<100000xf32, #tpu.memory_space<hbm>>) dst(%arg24 : memref<10000xf32, #tpu.memory_space<vmem>>)
      %dma_wait3A_96 = arith.constant 0 : i32
      %dma_wait3A_97 = tpu.memref_slice %arg5[%dma_wait3A_96] : memref<100000xf32, #tpu.memory_space<hbm>> -> memref<100000xf32, #tpu.memory_space<hbm>>
      tpu.wait_indirect_dma semaphore(%arg34 : memref<!tpu.dma_semaphore, #tpu.memory_space<semaphore_mem>>) src(%dma_wait3A_97 : memref<100000xf32, #tpu.memory_space<hbm>>) dst(%arg25 : memref<10000xf32, #tpu.memory_space<vmem>>)
      %scan3A_98 = arith.constant 0 : i32
      %scan3A_99 = arith.constant 0 : i32
      %scan3A_100 = arith.constant 625 : i32
      %scan3A_101 = arith.addi %scan3A_99, %scan3A_100 : i32
      %scan3A_102 = arith.constant 1 : i32
      scf.for %scan3A_124 = %scan3A_99 to %scan3A_101 step %scan3A_102  : i32 {
        %mul3A_125 = arith.constant 16 : i32
        %mul3A_126 = arith.muli %scan3A_124, %mul3A_125 : i32
        %get3A_127 = arith.index_cast %mul3A_126 : i32 to index
        %get3A_128 = tpu.vector_load %arg19[%get3A_127] {strides = array<i32>} : memref<10000xf32, #tpu.memory_space<vmem>>, vector<16xf32>,
        %get3A_129 = arith.index_cast %mul3A_126 : i32 to index
        %get3A_130 = tpu.vector_load %arg20[%get3A_129] {strides = array<i32>} : memref<10000xf32, #tpu.memory_space<vmem>>, vector<16xf32>,
        %mul3A_131 = arith.mulf %get3A_128, %get3A_1 : vector<16xf32>
        %mul3A_132 = arith.mulf %get3A_130, %get3A_3 : vector<16xf32>
        %add3A_133 = arith.addf %mul3A_131, %mul3A_132 : vector<16xf32>
        %mul3A_134 = arith.constant -5.000000e-01 : f32
        %mul3A_135 = vector.broadcast %mul3A_134 : f32 to vector<16xf32>
        %mul3A_136 = arith.mulf %add3A_133, %mul3A_135 : vector<16xf32>
        %sub3A = arith.subf %mul3A_136, %mul3A_6 : vector<16xf32>
        %swap3A = arith.index_cast %mul3A_126 : i32 to index
        %swap3A_137 = tpu.vector_load %arg21[%swap3A] {strides = array<i32>} : memref<10000xf32, #tpu.memory_space<vmem>>, vector<16xf32>,
        tpu.vector_store %arg21[%swap3A], %sub3A {strides = array<i32>} : memref<10000xf32, #tpu.memory_space<vmem>>, vector<16xf32>,
        %add3A_138 = arith.addf %mul3A_136, %mul3A_6 : vector<16xf32>
        %get3A_139 = arith.index_cast %mul3A_126 : i32 to index
        %get3A_140 = tpu.vector_load %arg22[%get3A_139] {strides = array<i32>} : memref<10000xf32, #tpu.memory_space<vmem>>, vector<16xf32>,
        %mul3A_141 = arith.mulf %add3A_138, %get3A_140 : vector<16xf32>
        %swap3A_142 = arith.index_cast %mul3A_126 : i32 to index
        %swap3A_143 = tpu.vector_load %arg22[%swap3A_142] {strides = array<i32>} : memref<10000xf32, #tpu.memory_space<vmem>>, vector<16xf32>,
        tpu.vector_store %arg22[%swap3A_142], %mul3A_141 {strides = array<i32>} : memref<10000xf32, #tpu.memory_space<vmem>>, vector<16xf32>,
        %get3A_144 = arith.index_cast %mul3A_126 : i32 to index
        %get3A_145 = tpu.vector_load %arg23[%get3A_144] {strides = array<i32>} : memref<10000xf32, #tpu.memory_space<vmem>>, vector<16xf32>,
        %mul3A_146 = arith.mulf %add3A_138, %get3A_145 : vector<16xf32>
        %swap3A_147 = arith.index_cast %mul3A_126 : i32 to index
        %swap3A_148 = tpu.vector_load %arg23[%swap3A_147] {strides = array<i32>} : memref<10000xf32, #tpu.memory_space<vmem>>, vector<16xf32>,
        tpu.vector_store %arg23[%swap3A_147], %mul3A_146 {strides = array<i32>} : memref<10000xf32, #tpu.memory_space<vmem>>, vector<16xf32>,
        %get3A_149 = arith.index_cast %mul3A_126 : i32 to index
        %get3A_150 = tpu.vector_load %arg24[%get3A_149] {strides = array<i32>} : memref<10000xf32, #tpu.memory_space<vmem>>, vector<16xf32>,
        %mul3A_151 = arith.mulf %add3A_138, %get3A_150 : vector<16xf32>
        %swap3A_152 = arith.index_cast %mul3A_126 : i32 to index
        %swap3A_153 = tpu.vector_load %arg24[%swap3A_152] {strides = array<i32>} : memref<10000xf32, #tpu.memory_space<vmem>>, vector<16xf32>,
        tpu.vector_store %arg24[%swap3A_152], %mul3A_151 {strides = array<i32>} : memref<10000xf32, #tpu.memory_space<vmem>>, vector<16xf32>,
        %get3A_154 = arith.index_cast %mul3A_126 : i32 to index
        %get3A_155 = tpu.vector_load %arg25[%get3A_154] {strides = array<i32>} : memref<10000xf32, #tpu.memory_space<vmem>>, vector<16xf32>,
        %mul3A_156 = arith.mulf %add3A_138, %get3A_155 : vector<16xf32>
        %swap3A_157 = arith.index_cast %mul3A_126 : i32 to index
        %swap3A_158 = tpu.vector_load %arg25[%swap3A_157] {strides = array<i32>} : memref<10000xf32, #tpu.memory_space<vmem>>, vector<16xf32>,
        tpu.vector_store %arg25[%swap3A_157], %mul3A_156 {strides = array<i32>} : memref<10000xf32, #tpu.memory_space<vmem>>, vector<16xf32>,
      }
      %scan3A_103 = arith.constant 625 : i32
      %dma_start3A_104 = arith.constant 0 : i32
      %dma_start3A_105 = tpu.memref_slice %arg26[%dma_start3A_104] : memref<100352xf32, #tpu.memory_space<vmem_shared>> -> memref<100352xf32, #tpu.memory_space<vmem_shared>>
      tpu.enqueue_indirect_dma source(%arg22 : memref<10000xf32, #tpu.memory_space<vmem>>) target(%dma_start3A_105 : memref<100352xf32, #tpu.memory_space<vmem_shared>>) offsets(%arg17 : memref<10000xi32, #tpu.memory_space<vmem>>) semaphore(%arg35 : memref<!tpu.dma_semaphore, #tpu.memory_space<semaphore_mem>>) {add = true}
      %dma_start3A_106 = arith.constant 0 : i32
      %dma_start3A_107 = tpu.memref_slice %arg27[%dma_start3A_106] : memref<100352xf32, #tpu.memory_space<vmem_shared>> -> memref<100352xf32, #tpu.memory_space<vmem_shared>>
      tpu.enqueue_indirect_dma source(%arg23 : memref<10000xf32, #tpu.memory_space<vmem>>) target(%dma_start3A_107 : memref<100352xf32, #tpu.memory_space<vmem_shared>>) offsets(%arg17 : memref<10000xi32, #tpu.memory_space<vmem>>) semaphore(%arg36 : memref<!tpu.dma_semaphore, #tpu.memory_space<semaphore_mem>>) {add = true}
      %dma_start3A_108 = arith.constant 0 : i32
      %dma_start3A_109 = tpu.memref_slice %arg28[%dma_start3A_108] : memref<100352xf32, #tpu.memory_space<vmem_shared>> -> memref<100352xf32, #tpu.memory_space<vmem_shared>>
      tpu.enqueue_indirect_dma source(%arg24 : memref<10000xf32, #tpu.memory_space<vmem>>) target(%dma_start3A_109 : memref<100352xf32, #tpu.memory_space<vmem_shared>>) offsets(%arg17 : memref<10000xi32, #tpu.memory_space<vmem>>) semaphore(%arg37 : memref<!tpu.dma_semaphore, #tpu.memory_space<semaphore_mem>>) {add = true}
      %dma_start3A_110 = arith.constant 0 : i32
      %dma_start3A_111 = tpu.memref_slice %arg29[%dma_start3A_110] : memref<100352xf32, #tpu.memory_space<vmem_shared>> -> memref<100352xf32, #tpu.memory_space<vmem_shared>>
      tpu.enqueue_indirect_dma source(%arg25 : memref<10000xf32, #tpu.memory_space<vmem>>) target(%dma_start3A_111 : memref<100352xf32, #tpu.memory_space<vmem_shared>>) offsets(%arg17 : memref<10000xi32, #tpu.memory_space<vmem>>) semaphore(%arg38 : memref<!tpu.dma_semaphore, #tpu.memory_space<semaphore_mem>>) {add = true}
      %dma_start3A_112 = arith.constant 0 : i32
      %dma_start3A_113 = tpu.memref_slice %arg30[%dma_start3A_112] : memref<100352xf32, #tpu.memory_space<vmem_shared>> -> memref<100352xf32, #tpu.memory_space<vmem_shared>>
      tpu.enqueue_indirect_dma source(%arg21 : memref<10000xf32, #tpu.memory_space<vmem>>) target(%dma_start3A_113 : memref<100352xf32, #tpu.memory_space<vmem_shared>>) offsets(%arg17 : memref<10000xi32, #tpu.memory_space<vmem>>) semaphore(%arg39 : memref<!tpu.dma_semaphore, #tpu.memory_space<semaphore_mem>>) {add = true}
      %dma_wait3A_114 = arith.constant 0 : i32
      %dma_wait3A_115 = tpu.memref_slice %arg26[%dma_wait3A_114] : memref<100352xf32, #tpu.memory_space<vmem_shared>> -> memref<100352xf32, #tpu.memory_space<vmem_shared>>
      tpu.wait_indirect_dma semaphore(%arg35 : memref<!tpu.dma_semaphore, #tpu.memory_space<semaphore_mem>>) src(%arg22 : memref<10000xf32, #tpu.memory_space<vmem>>) dst(%dma_wait3A_115 : memref<100352xf32, #tpu.memory_space<vmem_shared>>)
      %dma_wait3A_116 = arith.constant 0 : i32
      %dma_wait3A_117 = tpu.memref_slice %arg27[%dma_wait3A_116] : memref<100352xf32, #tpu.memory_space<vmem_shared>> -> memref<100352xf32, #tpu.memory_space<vmem_shared>>
      tpu.wait_indirect_dma semaphore(%arg36 : memref<!tpu.dma_semaphore, #tpu.memory_space<semaphore_mem>>) src(%arg23 : memref<10000xf32, #tpu.memory_space<vmem>>) dst(%dma_wait3A_117 : memref<100352xf32, #tpu.memory_space<vmem_shared>>)
      %dma_wait3A_118 = arith.constant 0 : i32
      %dma_wait3A_119 = tpu.memref_slice %arg28[%dma_wait3A_118] : memref<100352xf32, #tpu.memory_space<vmem_shared>> -> memref<100352xf32, #tpu.memory_space<vmem_shared>>
      tpu.wait_indirect_dma semaphore(%arg37 : memref<!tpu.dma_semaphore, #tpu.memory_space<semaphore_mem>>) src(%arg24 : memref<10000xf32, #tpu.memory_space<vmem>>) dst(%dma_wait3A_119 : memref<100352xf32, #tpu.memory_space<vmem_shared>>)
      %dma_wait3A_120 = arith.constant 0 : i32
      %dma_wait3A_121 = tpu.memref_slice %arg29[%dma_wait3A_120] : memref<100352xf32, #tpu.memory_space<vmem_shared>> -> memref<100352xf32, #tpu.memory_space<vmem_shared>>
      tpu.wait_indirect_dma semaphore(%arg38 : memref<!tpu.dma_semaphore, #tpu.memory_space<semaphore_mem>>) src(%arg25 : memref<10000xf32, #tpu.memory_space<vmem>>) dst(%dma_wait3A_121 : memref<100352xf32, #tpu.memory_space<vmem_shared>>)
      %dma_wait3A_122 = arith.constant 0 : i32
      %dma_wait3A_123 = tpu.memref_slice %arg30[%dma_wait3A_122] : memref<100352xf32, #tpu.memory_space<vmem_shared>> -> memref<100352xf32, #tpu.memory_space<vmem_shared>>
      tpu.wait_indirect_dma semaphore(%arg39 : memref<!tpu.dma_semaphore, #tpu.memory_space<semaphore_mem>>) src(%arg21 : memref<10000xf32, #tpu.memory_space<vmem>>) dst(%dma_wait3A_123 : memref<100352xf32, #tpu.memory_space<vmem_shared>>)
    }
    %scan3A_19 = arith.constant 5 : i32
    %barrier3A_20 = arith.constant 0 : index
    tpu.barrier barrier_id(%barrier3A_20)
    %mul3A_21 = arith.constant 5 : i32
    %mul3A_22 = arith.muli %arg0, %mul3A_21 : i32
    %add3A_23 = arith.constant 0 : i32
    %add3A_24 = arith.addi %mul3A_22, %add3A_23 : i32
    %mul3A_25 = arith.constant 100352 : i32
    %mul3A_26 = arith.muli %add3A_24, %mul3A_25 : i32
    %add3A_27 = arith.addi %mul3A_26, %multiple_of3A : i32
    %multiple_of3A_28 = tpu.assume_multiple %add3A_27, 8 : i32
    "tpu.region"() ({
      %run_scoped3A = tpu.sem_alloc : memref<!tpu.dma_semaphore, #tpu.memory_space<semaphore_mem>>
      %dma_start3A = tpu.memref_slice %arg13[%multiple_of3A_28] : memref<1003520xf32, #tpu.memory_space<hbm>> -> memref<6272xf32, #tpu.memory_space<hbm>>
      %dma_start3A_61 = tpu.memref_slice %arg26[%multiple_of3A] : memref<100352xf32, #tpu.memory_space<vmem_shared>> -> memref<6272xf32, #tpu.memory_space<vmem_shared>>
      tpu.enqueue_dma source(%dma_start3A_61 : memref<6272xf32, #tpu.memory_space<vmem_shared>>) target(%dma_start3A : memref<6272xf32, #tpu.memory_space<hbm>>) target_semaphore(%run_scoped3A : memref<!tpu.dma_semaphore, #tpu.memory_space<semaphore_mem>>)
      %dma_wait3A = tpu.memref_slice %arg13[%multiple_of3A_28] : memref<1003520xf32, #tpu.memory_space<hbm>> -> memref<6272xf32, #tpu.memory_space<hbm>>
      %dma_wait3A_62 = tpu.memref_slice %arg26[%multiple_of3A] : memref<100352xf32, #tpu.memory_space<vmem_shared>> -> memref<6272xf32, #tpu.memory_space<vmem_shared>>
      tpu.wait_dma2 semaphore(%run_scoped3A : memref<!tpu.dma_semaphore, #tpu.memory_space<semaphore_mem>>) src(%dma_wait3A_62 : memref<6272xf32, #tpu.memory_space<vmem_shared>>) dst(%dma_wait3A : memref<6272xf32, #tpu.memory_space<hbm>>)
      tpu.yield
    }) : () -> ()
    %mul3A_29 = arith.constant 5 : i32
    %mul3A_30 = arith.muli %arg0, %mul3A_29 : i32
    %add3A_31 = arith.constant 1 : i32
    %add3A_32 = arith.addi %mul3A_30, %add3A_31 : i32
    %mul3A_33 = arith.constant 100352 : i32
    %mul3A_34 = arith.muli %add3A_32, %mul3A_33 : i32
    %add3A_35 = arith.addi %mul3A_34, %multiple_of3A : i32
    %multiple_of3A_36 = tpu.assume_multiple %add3A_35, 8 : i32
    "tpu.region"() ({
      %run_scoped3A = tpu.sem_alloc : memref<!tpu.dma_semaphore, #tpu.memory_space<semaphore_mem>>
      %dma_start3A = tpu.memref_slice %arg13[%multiple_of3A_36] : memref<1003520xf32, #tpu.memory_space<hbm>> -> memref<6272xf32, #tpu.memory_space<hbm>>
      %dma_start3A_61 = tpu.memref_slice %arg27[%multiple_of3A] : memref<100352xf32, #tpu.memory_space<vmem_shared>> -> memref<6272xf32, #tpu.memory_space<vmem_shared>>
      tpu.enqueue_dma source(%dma_start3A_61 : memref<6272xf32, #tpu.memory_space<vmem_shared>>) target(%dma_start3A : memref<6272xf32, #tpu.memory_space<hbm>>) target_semaphore(%run_scoped3A : memref<!tpu.dma_semaphore, #tpu.memory_space<semaphore_mem>>)
      %dma_wait3A = tpu.memref_slice %arg13[%multiple_of3A_36] : memref<1003520xf32, #tpu.memory_space<hbm>> -> memref<6272xf32, #tpu.memory_space<hbm>>
      %dma_wait3A_62 = tpu.memref_slice %arg27[%multiple_of3A] : memref<100352xf32, #tpu.memory_space<vmem_shared>> -> memref<6272xf32, #tpu.memory_space<vmem_shared>>
      tpu.wait_dma2 semaphore(%run_scoped3A : memref<!tpu.dma_semaphore, #tpu.memory_space<semaphore_mem>>) src(%dma_wait3A_62 : memref<6272xf32, #tpu.memory_space<vmem_shared>>) dst(%dma_wait3A : memref<6272xf32, #tpu.memory_space<hbm>>)
      tpu.yield
    }) : () -> ()
    %mul3A_37 = arith.constant 5 : i32
    %mul3A_38 = arith.muli %arg0, %mul3A_37 : i32
    %add3A_39 = arith.constant 2 : i32
    %add3A_40 = arith.addi %mul3A_38, %add3A_39 : i32
    %mul3A_41 = arith.constant 100352 : i32
    %mul3A_42 = arith.muli %add3A_40, %mul3A_41 : i32
    %add3A_43 = arith.addi %mul3A_42, %multiple_of3A : i32
    %multiple_of3A_44 = tpu.assume_multiple %add3A_43, 8 : i32
    "tpu.region"() ({
      %run_scoped3A = tpu.sem_alloc : memref<!tpu.dma_semaphore, #tpu.memory_space<semaphore_mem>>
      %dma_start3A = tpu.memref_slice %arg13[%multiple_of3A_44] : memref<1003520xf32, #tpu.memory_space<hbm>> -> memref<6272xf32, #tpu.memory_space<hbm>>
      %dma_start3A_61 = tpu.memref_slice %arg28[%multiple_of3A] : memref<100352xf32, #tpu.memory_space<vmem_shared>> -> memref<6272xf32, #tpu.memory_space<vmem_shared>>
      tpu.enqueue_dma source(%dma_start3A_61 : memref<6272xf32, #tpu.memory_space<vmem_shared>>) target(%dma_start3A : memref<6272xf32, #tpu.memory_space<hbm>>) target_semaphore(%run_scoped3A : memref<!tpu.dma_semaphore, #tpu.memory_space<semaphore_mem>>)
      %dma_wait3A = tpu.memref_slice %arg13[%multiple_of3A_44] : memref<1003520xf32, #tpu.memory_space<hbm>> -> memref<6272xf32, #tpu.memory_space<hbm>>
      %dma_wait3A_62 = tpu.memref_slice %arg28[%multiple_of3A] : memref<100352xf32, #tpu.memory_space<vmem_shared>> -> memref<6272xf32, #tpu.memory_space<vmem_shared>>
      tpu.wait_dma2 semaphore(%run_scoped3A : memref<!tpu.dma_semaphore, #tpu.memory_space<semaphore_mem>>) src(%dma_wait3A_62 : memref<6272xf32, #tpu.memory_space<vmem_shared>>) dst(%dma_wait3A : memref<6272xf32, #tpu.memory_space<hbm>>)
      tpu.yield
    }) : () -> ()
    %mul3A_45 = arith.constant 5 : i32
    %mul3A_46 = arith.muli %arg0, %mul3A_45 : i32
    %add3A_47 = arith.constant 3 : i32
    %add3A_48 = arith.addi %mul3A_46, %add3A_47 : i32
    %mul3A_49 = arith.constant 100352 : i32
    %mul3A_50 = arith.muli %add3A_48, %mul3A_49 : i32
    %add3A_51 = arith.addi %mul3A_50, %multiple_of3A : i32
    %multiple_of3A_52 = tpu.assume_multiple %add3A_51, 8 : i32
    "tpu.region"() ({
      %run_scoped3A = tpu.sem_alloc : memref<!tpu.dma_semaphore, #tpu.memory_space<semaphore_mem>>
      %dma_start3A = tpu.memref_slice %arg13[%multiple_of3A_52] : memref<1003520xf32, #tpu.memory_space<hbm>> -> memref<6272xf32, #tpu.memory_space<hbm>>
      %dma_start3A_61 = tpu.memref_slice %arg29[%multiple_of3A] : memref<100352xf32, #tpu.memory_space<vmem_shared>> -> memref<6272xf32, #tpu.memory_space<vmem_shared>>
      tpu.enqueue_dma source(%dma_start3A_61 : memref<6272xf32, #tpu.memory_space<vmem_shared>>) target(%dma_start3A : memref<6272xf32, #tpu.memory_space<hbm>>) target_semaphore(%run_scoped3A : memref<!tpu.dma_semaphore, #tpu.memory_space<semaphore_mem>>)
      %dma_wait3A = tpu.memref_slice %arg13[%multiple_of3A_52] : memref<1003520xf32, #tpu.memory_space<hbm>> -> memref<6272xf32, #tpu.memory_space<hbm>>
      %dma_wait3A_62 = tpu.memref_slice %arg29[%multiple_of3A] : memref<100352xf32, #tpu.memory_space<vmem_shared>> -> memref<6272xf32, #tpu.memory_space<vmem_shared>>
      tpu.wait_dma2 semaphore(%run_scoped3A : memref<!tpu.dma_semaphore, #tpu.memory_space<semaphore_mem>>) src(%dma_wait3A_62 : memref<6272xf32, #tpu.memory_space<vmem_shared>>) dst(%dma_wait3A : memref<6272xf32, #tpu.memory_space<hbm>>)
      tpu.yield
    }) : () -> ()
    %mul3A_53 = arith.constant 5 : i32
    %mul3A_54 = arith.muli %arg0, %mul3A_53 : i32
    %add3A_55 = arith.constant 4 : i32
    %add3A_56 = arith.addi %mul3A_54, %add3A_55 : i32
    %mul3A_57 = arith.constant 100352 : i32
    %mul3A_58 = arith.muli %add3A_56, %mul3A_57 : i32
    %add3A_59 = arith.addi %mul3A_58, %multiple_of3A : i32
    %multiple_of3A_60 = tpu.assume_multiple %add3A_59, 8 : i32
    "tpu.region"() ({
      %run_scoped3A = tpu.sem_alloc : memref<!tpu.dma_semaphore, #tpu.memory_space<semaphore_mem>>
      %dma_start3A = tpu.memref_slice %arg13[%multiple_of3A_60] : memref<1003520xf32, #tpu.memory_space<hbm>> -> memref<6272xf32, #tpu.memory_space<hbm>>
      %dma_start3A_61 = tpu.memref_slice %arg30[%multiple_of3A] : memref<100352xf32, #tpu.memory_space<vmem_shared>> -> memref<6272xf32, #tpu.memory_space<vmem_shared>>
      tpu.enqueue_dma source(%dma_start3A_61 : memref<6272xf32, #tpu.memory_space<vmem_shared>>) target(%dma_start3A : memref<6272xf32, #tpu.memory_space<hbm>>) target_semaphore(%run_scoped3A : memref<!tpu.dma_semaphore, #tpu.memory_space<semaphore_mem>>)
      %dma_wait3A = tpu.memref_slice %arg13[%multiple_of3A_60] : memref<1003520xf32, #tpu.memory_space<hbm>> -> memref<6272xf32, #tpu.memory_space<hbm>>
      %dma_wait3A_62 = tpu.memref_slice %arg30[%multiple_of3A] : memref<100352xf32, #tpu.memory_space<vmem_shared>> -> memref<6272xf32, #tpu.memory_space<vmem_shared>>
      tpu.wait_dma2 semaphore(%run_scoped3A : memref<!tpu.dma_semaphore, #tpu.memory_space<semaphore_mem>>) src(%dma_wait3A_62 : memref<6272xf32, #tpu.memory_space<vmem_shared>>) dst(%dma_wait3A : memref<6272xf32, #tpu.memory_space<hbm>>)
      tpu.yield
    }) : () -> ()
    return
  }
}

module attributes {stable_mosaic.version = 14 : i64} {
  func.func @_combine_body(%arg0: i32, %arg1: memref<4x6272xf32, #tpu.memory_space<vmem>>, %arg2: memref<2x5x6272xf32, #tpu.memory_space<vmem>>, %arg3: memref<4x6272xf32, #tpu.memory_space<vmem>>) attributes {dimension_semantics = [#tpu.dimension_semantics<arbitrary>], iteration_bounds = array<i64: 16>, scalar_prefetch = 0 : i64, scratch_operands = 0 : i64, tpu.core_type = #tpu.core_type<tc>, window_params = [{transform_indices = @transform_0, window_bounds = array<i64: 4, 6272>}, {transform_indices = @transform_1, window_bounds = array<i64: 2, 5, 6272>}, {transform_indices = @transform_2, window_bounds = array<i64: 4, 6272>}]} {
    %get3A = arith.constant 0 : index
    %get3A_0 = arith.constant 0 : index
    %get3A_1 = arith.constant 0 : index
    %get3A_2 = vector.load %arg2[%get3A, %get3A_0, %get3A_1] : memref<2x5x6272xf32, #tpu.memory_space<vmem>>, vector<1x5x6272xf32>
    %get3A_3 = vector.shape_cast %get3A_2 : vector<1x5x6272xf32> to vector<5x6272xf32>
    %get3A_4 = arith.constant 1 : index
    %get3A_5 = arith.constant 0 : index
    %get3A_6 = arith.constant 0 : index
    %get3A_7 = vector.load %arg2[%get3A_4, %get3A_5, %get3A_6] : memref<2x5x6272xf32, #tpu.memory_space<vmem>>, vector<1x5x6272xf32>
    %get3A_8 = vector.shape_cast %get3A_7 : vector<1x5x6272xf32> to vector<5x6272xf32>
    %add3A = arith.addf %get3A_3, %get3A_8 : vector<5x6272xf32>
    %slice3A = vector.extract_strided_slice %add3A {offsets = [4, 0], sizes = [1, 6272], strides = [1, 1]} : vector<5x6272xf32> to vector<1x6272xf32>
    %get3A_9 = arith.constant 0 : index
    %get3A_10 = arith.constant 0 : index
    %get3A_11 = vector.load %arg1[%get3A_9, %get3A_10] : memref<4x6272xf32, #tpu.memory_space<vmem>>, vector<4x6272xf32>
    %add3A_12 = arith.constant 1.000000e+00 : f32
    %add3A_13 = vector.broadcast %add3A_12 : f32 to vector<1x6272xf32>
    %add3A_14 = arith.addf %add3A_13, %slice3A : vector<1x6272xf32>
    %mul3A = vector.broadcast %add3A_14 : vector<1x6272xf32> to vector<4x6272xf32>
    %mul3A_15 = arith.mulf %get3A_11, %mul3A : vector<4x6272xf32>
    %slice3A_16 = vector.extract_strided_slice %add3A {offsets = [0, 0], sizes = [4, 6272], strides = [1, 1]} : vector<5x6272xf32> to vector<4x6272xf32>
    %add3A_17 = arith.addf %mul3A_15, %slice3A_16 : vector<4x6272xf32>
    %swap3A = arith.constant 0 : index
    %swap3A_18 = arith.constant 0 : index
    %swap3A_19 = vector.load %arg3[%swap3A, %swap3A_18] : memref<4x6272xf32, #tpu.memory_space<vmem>>, vector<4x6272xf32>
    tpu.vector_store %arg3[%swap3A, %swap3A_18], %add3A_17 {strides = array<i32>} : memref<4x6272xf32, #tpu.memory_space<vmem>>, vector<4x6272xf32>,
    return
  }
  func.func @transform_0(%arg0: i32) -> (i32, i32) {
    %c0_i32 = arith.constant 0 : i32
    %c0_i32_0 = arith.constant 0 : i32
    return %c0_i32, %arg0 : i32, i32
  }
  func.func @transform_1(%arg0: i32) -> (i32, i32, i32) {
    %c0_i32 = arith.constant 0 : i32
    %c0_i32_0 = arith.constant 0 : i32
    %c0_i32_1 = arith.constant 0 : i32
    return %c0_i32, %c0_i32_0, %arg0 : i32, i32, i32
  }
  func.func @transform_2(%arg0: i32) -> (i32, i32) {
    %c0_i32 = arith.constant 0 : i32
    %c0_i32_0 = arith.constant 0 : i32
    return %c0_i32, %arg0 : i32, i32
  }
}

</mosaic_0001>

<sc_bundles>
// kernel: kernel.4.cloned.1.call-start
scs
__scs_entry_jumppad:
0x0: {  	(pc) =	sbr.rel $0x88, $3  }
0x1: {  	(tag) =	ssettag $0x0;
	lr =	simm.s32 $0x1  }
0x2: {  	[smem:$0x3F9C] =	sst lr;
	_ =	strace $0xD0000000  }
0x3: {  	_ = 	snop  }
0x4: {  	_ = 	snop  }
0x5: {  	_ = 	snop  }
0x6: {  	_ = 	snop  }
0x7: {  	_ = 	snop  }
__scs_overlays_trampoline_lowered:
0x8: {  	[smem:$0x3FAB] =	sst s0  }
0x9: {  	[smem:$0x3FAC] =	sst s1  }
0xa: {  	[smem:$0x3FAD] =	sst s2  }
0xb: {  	[smem:$0x3FAE] =	sst s3  }
0xc: {  	[smem:$0x3FAF] =	sst s4  }
0xd: {  	[smem:$0x3FB0] =	sst s5  }
0xe: {  	[smem:$0x3FB1] =	sst s6  }
0xf: {  	[smem:$0x3FB2] =	sst s7  }
0x10: {  	[smem:$0x3FB3] =	sst s8  }
0x11: {  	[smem:$0x3FB4] =	sst s9;
	s0 =	simm.s32 @!p0 $0x0  }
0x12: {  	s1 =	sld [smem:$0x3F9A];
	s0 =	simm.s32 @p0 $0x1  }
0x13: {  	[smem:$0x3FB5] =	sst s0;
	s0 =	simm.s32 @!p1 $0x0  }
0x14: {  	s2 =	sld [smem:$0x3F99];
	s0 =	simm.s32 @p1 $0x1  }
0x15: {  	[smem:$0x3FB6] =	sst s0;
	s0 =	simm.s32 @!p2 $0x0  }
0x16: {  	s3 =	sld [smem:$0x3FDB];
	s0 =	simm.s32 @p2 $0x1  }
0x17: {  	s4 =	simm.s32 $0x1BF5;
	[smem:$0x3FB8] =	sst s0  }
0x18: {  	s0 =	sld [smem:$0x3F9B];
	_ =	swait.ge [sflag:s4], $0x0  }
0x19: {  	s7 =	sld [smem:$0x3F9C]  }
0x1a: {  	s8 =	sadd.s32 $0xFFFFE003, lr  }
0x1b: {  	s9 =	sadd.s32 $0xFFFFFEF7, lr;
	s5 =	simm.s32 $0xFFFFFFFF;
	p2 =	slt.u32 s8, $0xFFFFF086  }
0x1c: {  	p1 =	slt.u32 s9, $0xF7A;
	s5 =	simm.s32 @!p2 $0x0  }
0x1d: {  	s5 =	simm.s32 @p1 $0x1;
	p0 =	seq.s32 s7, s2  }
0x1e: {  	s7 =	smul.u32 @!p0 $0xF7A, s2;
	p2 =	seq.s32 @!p0 s5, $0x0  }
0x1f: {  	s9 =	smul.u32 $0xF7A, s1;
	s8 =	simm.s32 @!p0 $0x1BF5;
	p2 =	por !p2, p0  }
0x20: {  	[sflag:s8] =	ssyncset.s32 @!p0 $0xFFFFF086;
	s6 =	sadd.s32 @!p0 s3, s7;
	s7 =	simm.s32 @!p0 $0x108  }
0x21: {  	s3 =	sadd.s32 s3, s9;
	s6 =	sadd.s32 @!p0 $0x88, s6;
	s7 =	simm.s32 @p2 $0x1082  }
0x22: {  	[simem:s7], [sflag:s8] =	dma.local @!p0 [hbm:s6], $0xF7A  }
0x23: {  	s9 =	sor.u32 $0xD0000000, s2;
	s6 =	simm.s32 $0x108;
	_ =	swait.ge @!p0 [sflag:s8], $0x0  }
0x24: {  	s3 =	sadd.s32 $0x88, s3;
	s6 =	simm.s32 @!p1 $0x1082;
	[sflag:s4] =	ssyncset.s32 $0xFFFFF086  }
0x25: {  	[simem:s6], [sflag:s4] =	dma.local [hbm:s3], $0xF7A  }
0x26: {  	[smem:$0x3F9C] =	sst s1;
	(tag) =	ssettag s2;
	_ =	strace s9  }
0x27: {  	s1 =	sld [smem:$0x3FAC]  }
0x28: {  	s2 =	sld [smem:$0x3FAD]  }
0x29: {  	s4 =	sld [smem:$0x3FAF]  }
0x2a: {  	p0 =	seq.s32 s5, $0x0;
	s5 =	sld [smem:$0x3FB0]  }
0x2b: {  	s6 =	sld [smem:$0x3FB1]  }
0x2c: {  	s7 =	sld [smem:$0x3FB2]  }
0x2d: {  	s3 =	simm.s32 $0x108;
	s8 =	sld [smem:$0x3FB3]  }
0x2e: {  	s3 =	simm.s32 @!p0 $0x1082;
	s9 =	sld [smem:$0x3FB4]  }
0x2f: {  	lr =	sadd.s32 s0, s3;
	s0 =	sld [smem:$0x3FAB]  }
0x30: {  	s3 =	sld [smem:$0x3FAE]  }
0x31: {  	[smem:$0x3FB7] =	sst s10  }
0x32: {  	s10 =	sld [smem:$0x3FB5];
	_ =	sdelay $0x3  }
0x33: {  	p0 =	seq.s32 s10, $0x1;
	s10 =	sld [smem:$0x3FB7];
	_ =	sdelay $0x3  }
0x34: {  	[smem:$0x3FB7] =	sst s10  }
0x35: {  	s10 =	sld [smem:$0x3FB6];
	_ =	sdelay $0x3  }
0x36: {  	p1 =	seq.s32 s10, $0x1;
	s10 =	sld [smem:$0x3FB7];
	_ =	sdelay $0x3  }
0x37: {  	[smem:$0x3FB7] =	sst s10  }
0x38: {  	s10 =	sld [smem:$0x3FB8]  }
0x39: {  	_ = 	snop;
	(pc) =	sbr.ind lr, $3  }
0x3a: {  	_ = 	snop  }
0x3b: {  	_ = 	snop  }
0x3c: {  	p2 =	seq.s32 s10, $0x1;
	s10 =	sld [smem:$0x3FB7]  }
0x3d: {  	_ =	shalt  }
0x3e: {  	_ =	shalt  }
0x3f: {  	_ =	shalt  }
0x40: {  	_ =	shalt  }
0x41: {  	_ =	shalt  }
0x42: {  	_ =	shalt  }
0x43: {  	_ =	shalt  }
0x44: {  	_ =	shalt  }
0x45: {  	_ =	shalt  }
0x46: {  	_ =	shalt  }
0x47: {  	_ =	shalt  }
0x48: {  	_ =	shalt  }
0x49: {  	_ =	shalt  }
0x4a: {  	_ =	shalt  }
0x4b: {  	_ =	shalt  }
0x4c: {  	_ =	shalt  }
0x4d: {  	_ =	shalt  }
0x4e: {  	_ =	shalt  }
0x4f: {  	_ =	shalt  }
0x50: {  	_ =	shalt  }
0x51: {  	_ =	shalt  }
0x52: {  	_ =	shalt  }
0x53: {  	_ =	shalt  }
0x54: {  	_ =	shalt  }
0x55: {  	_ =	shalt  }
0x56: {  	_ =	shalt  }
0x57: {  	_ =	shalt  }
0x58: {  	_ =	shalt  }
0x59: {  	_ =	shalt  }
0x5a: {  	_ =	shalt  }
0x5b: {  	_ =	shalt  }
0x5c: {  	_ =	shalt  }
0x5d: {  	_ =	shalt  }
0x5e: {  	_ =	shalt  }
0x5f: {  	_ =	shalt  }
0x60: {  	_ =	shalt  }
0x61: {  	_ =	shalt  }
0x62: {  	_ =	shalt  }
0x63: {  	_ =	shalt  }
0x64: {  	_ =	shalt  }
0x65: {  	_ =	shalt  }
0x66: {  	_ =	shalt  }
0x67: {  	_ =	shalt  }
0x68: {  	_ =	shalt  }
0x69: {  	_ =	shalt  }
0x6a: {  	_ =	shalt  }
0x6b: {  	_ =	shalt  }
0x6c: {  	_ =	shalt  }
0x6d: {  	_ =	shalt  }
0x6e: {  	_ =	shalt  }
0x6f: {  	_ =	shalt  }
0x70: {  	_ =	shalt  }
0x71: {  	_ =	shalt  }
0x72: {  	_ =	shalt  }
0x73: {  	_ =	shalt  }
0x74: {  	_ =	shalt  }
0x75: {  	_ =	shalt  }
0x76: {  	_ =	shalt  }
0x77: {  	_ =	shalt  }
0x78: {  	_ =	shalt  }
0x79: {  	_ =	shalt  }
0x7a: {  	_ =	shalt  }
0x7b: {  	_ =	shalt  }
0x7c: {  	_ =	shalt  }
0x7d: {  	_ =	shalt  }
0x7e: {  	_ =	shalt  }
0x7f: {  	_ =	shalt  }
0x80: {  	_ =	shalt  }
0x81: {  	_ =	shalt  }
0x82: {  	_ =	shalt  }
0x83: {  	_ =	shalt  }
0x84: {  	_ =	shalt  }
0x85: {  	_ =	shalt  }
0x86: {  	_ =	shalt  }
0x87: {  	_ =	shalt  }
.Lfunc_end0:
.L_simem_size_0:
called_computation_lowered:
.L_overlay_start_0:
0x88: {  	s2 =	sld [smem:$0x3FD9]  }
0x89: {  	s3 =	sld [smem:$0x3FFE];
	_ =	sdelay $0x1  }
0x8a: {  	s1 =	srdreg.scid  }
0x8b: {  	s0 =	sand.u32 $0x1, s1  }
0x8c: {  	s17 =	sshll.u32 s0, $0xA;
	s2 =	sadd.s32 s3, s2  }
0x8d: {  	s2 =	sadd.s32 s2, s17  }
0x8e: {  	[smem:$0x3FC3] =	sst s2  }
0x8f: {  	_ = 	snop  }
0x90: {  	s2 =	sld [smem:$0x3FD0];
	(tm) =	ssettm $0x1  }
0x91: {  	s18 =	sld [smem:$0x3FFB];
	_ =	sdelay $0x3  }
0x92: {  	_ =	strace s18  }
0x93: {  	s3 =	sld [smem:$0x3FFC];
	_ =	sdelay $0x3  }
0x94: {  	_ =	strace s3  }
0x95: {  	s3 =	sld [smem:$0x3FFD];
	_ =	sdelay $0x3  }
0x96: {  	_ =	strace s3  }
0x97: {  	_ =	strace $0x8FFFFFFF  }
0x98: {  	s19 =	sld [smem:$0x3FDB];
	_ =	sdelay $0x1  }
0x99: {  	s4 =	simm.s32 $_scs_section_size  }
0x9a: {  	s5 =	simm.s32 $_size__tile_overlayer_lowered;
	s6 =	simm.s32 $_tile_overlayer_lowered  }
0x9b: {  	s22 =	simm.s32 $0x1BFF;
	s21 =	sshll.u32 s6, $0x1;
	s3 =	sadd.s32 s4, s19  }
0x9c: {  	s7 =	simm.s32 $0x0;
	s20 =	sshll.u32 s5, $0x1;
	s5 =	sadd.s32 s21, s3  }
0x9d: {  	[timem:s7], [sflag:s22] =	dma.local [hbm:s5], s20  }
0x9e: {  	_ =	swait.ge [sflag:s22], s20  }
0x9f: {  	s4 =	ssub.s32 $0x0, s20;
	[sflag:s22] =	ssyncset.done $0x0  }
0xa0: {  	[sflag:s22] =	ssyncadd.s32 s4;
	_ =	sdelay $0x1  }
0xa1: {  	s23 =	simm.s32 $0x1B8B  }
0xa2: {  	_ =	swait.ge [sflag:s23], $0x1  }
0xa3: {  	[sflag:s23] =	ssyncset.done $0x0  }
0xa4: {  	s25 =	simm.s32 $0x1B8E;
	s24 =	sld [smem:$0x3FFE];
	[sflag:s23] =	ssyncadd.s32 $0xFFFFFFFF  }
0xa5: {  	s26 =	simm.s32 $execute0_lowered;
	[smem:$0x3FD2] =	sst s25  }
0xa6: {  	s5 =	sshll.u32 s26, $0x1;
	_ =	strace $0x80000046;
	[dreg:$0x1] =	wrdreg $0xFFFFFFFF  }
0xa7: {  	s28 =	simm.s32 $_size_execute0_lowered;
	s3 =	sadd.s32 s3, s5;
	[dreg:$0x0] =	wrdreg $0x0  }
0xa8: {  	s5 =	sshll.u32 s28, $0x1;
	[dreg:$0x2] =	wrdreg s3  }
0xa9: {  	[dreg:$0x3] =	wrdreg s5  }
0xaa: {  	[dreg:$0x4] =	wrdreg $0xC0  }
0xab: {  	_ =	task [dreg:s7], $0x5FFFF  }
0xac: {  	[dreg:$0x1] =	wrdreg $0xFFFFFFFF  }
0xad: {  	[dreg:$0x0] =	wrdreg $0x60  }
0xae: {  	[dreg:$0x2] =	wrdreg s2  }
0xaf: {  	[dreg:$0x3] =	wrdreg s24  }
0xb0: {  	[dreg:$0x4] =	wrdreg $0x165000  }
0xb1: {  	[dreg:$0x5] =	wrdreg $0x17D800  }
0xb2: {  	[dreg:$0x6] =	wrdreg $0x196000  }
0xb3: {  	[dreg:$0x7] =	wrdreg $0x1AE800  }
0xb4: {  	[dreg:$0x8] =	wrdreg $0x1C7000  }
0xb5: {  	[dreg:$0x9] =	wrdreg $0x9  }
0xb6: {  	_ =	task.clear_ibuf [dreg:s7], $0xAFFFF;
	_ =	strace $0x90000046  }
0xb7: {  	s29 =	simm.s32 $0x9;
	_ =	strace $0x80000048  }
0xb8: {  	_ =	swait.ge [sflag:s29], $0x1  }
0xb9: {  	[sflag:s29] =	ssyncadd.s32 $0xFFFFFFFF  }
0xba: {  	_ =	strace $0x90000048  }
0xbb: {  	_ =	sfence  }
0xbc: {  	s30 =	sld [smem:$0x0];
	_ =	sdelay $0x2  }
0xbd: {  	s31 =	sshll.u32 s1, $0xD;
	s1 =	sshrl.u32 s1, $0x2  }
0xbe: {  	s3 =	sand.u32 $0x4000, s31;
	s1 =	sadd.s32 s1, s30  }
0xbf: {  	s0 =	sor.u32 s3, s0;
	s1 =	sshll.u32 s1, $0x11  }
0xc0: {  	s0 =	sor.u32 s1, s0  }
0xc1: {  	s0 =	sadd.s32 $0x8F2B, s0  }
0xc2: {  	[sflag:s0] =	ssyncadd.remote.s32 $0x1  }
0xc3: {  	_ =	sfence.sel $0xFFFF  }
0xc4: {  	[dreg:$0x0] =	wrdreg $0xFFFFFFFF;
	(pc) =	sbr.abs _section_cstart, $3  }
0xc5: {  	[dreg:$0x1] =	wrdreg $0xFFFFFFFF  }
0xc6: {  	_ =	task.clear_ibuf [dreg:s7], $0x2FFFF;
	_ =	strace $0x9FFFFFFF  }
0xc7: {  	(tm) =	ssettm $0x7FFFFFFF  }
tec
execute0_lowered:
.L_overlay_start_1:
0x0: {  	(tag) =	ssettag $0x1  }
0x1: {  	s5 =	rddreg [dreg:$0x1]  }
0x2: {  	s6 =	rddreg [dreg:$0x2]  }
0x3: {  	s7 =	rddreg [dreg:$0x3]  }
0x4: {  	s8 =	rddreg [dreg:$0x4]  }
0x5: {  	s10 =	rddreg [dreg:$0x5]  }
0x6: {  	s11 =	rddreg [dreg:$0x6]  }
0x7: {  	s0 =	srdreg.scid;
	s9 =	stileid.u32;
	s2 =	simm.s32 $0x0  }
0x8: {  	s30 =	simm.s32 $0x11600;
	s31 =	simm.s32 $0x13D80;
	s0 =	sand.u32 $0x1, s0  }
0x9: {  	s1 =	smul.u32 $0x1880, s9;
	[smem:$0x7FF] =	sst s2;
	s3 =	sadd.s32 $0x6A00, s5  }
0xa: {  	s26 =	sadd.s32 $0x3800, s5;
	s4 =	sadd.s32 $0x600, s5;
	s13 =	sadd.s32 $0x3AA00, s5  }
0xb: {  	s14 =	sshll.u32 s9, $0x1;
	s28 =	sadd.s32 $0x9C600, s5;
	s29 =	sadd.s32 $0x6B800, s5  }
0xc: {  	s24 =	sadd.s32 $0x200, s5;
	_ =	strace $0x80000047;
	[dreg:$0x8] =	wrdreg s3  }
0xd: {  	s9 =	simm.s32 $0xC;
	s25 =	smul.u32 $0x7A800, s0;
	[dreg:$0x9] =	wrdreg s26  }
0xe: {  	[dreg:$0xa] =	wrdreg s4;
	s12 =	ssub.s32 $0x2, s0;
	s0 =	sor.u32 s0, s14  }
0xf: {  	s26 =	sadd.s32 $0x9C00, s5;
	[dreg:$0x16] =	wrdreg s24;
	s24 =	simm.s32 $0xC700  }
0x10: {  	s14 =	simm.s32 $0xD;
	s4 =	sshrl.u32 s12, $0x1;
	s15 =	sadd.s32 s1, s7  }
0x11: {  	s16 =	sadd.s32 s1, s8;
	s10 =	sadd.s32 s1, s10;
	s11 =	sadd.s32 s1, s11  }
0x12: {  	s19 =	smul.u32 $0xC350, s0;
	s0 =	simm.s32 $0x4;
	s7 =	simm.s32 $0x7  }
0x13: {  	s8 =	simm.s32 $0x8;
	s2 =	sadd.s32 s1, s25;
	[dreg:$0xc] =	wrdreg s15  }
0x14: {  	s3 =	ssub.s32 s12, s4;
	s12 =	sadd.s32 s1, s6;
	[dreg:$0xd] =	wrdreg s16  }
0x15: {  	s25 =	sadd.s32 $0xCD400, s5;
	s6 =	simm.s32 $0xE;
	[dreg:$0xe] =	wrdreg s10  }
0x16: {  	s15 =	simm.s32 $0xA;
	s16 =	simm.s32 $0x1;
	[dreg:$0xf] =	wrdreg s11  }
0x17: {  	s4 =	simm.s32 $0x5;
	s2 =	sshrl.u32 s2, $0x3;
	[dreg:$0x17] =	wrdreg s25  }
0x18: {  	s23 =	smax.u32 s3, $0x1;
	[dreg:$0xb] =	wrdreg s12;
	s2 =	sadd.s32 s2, s5  }
0x19: {  	s25 =	simm.s32 $0xEE80;
	[dreg:$0x15] =	wrdreg s23;
	s17 =	sadd.s32 $0xCD600, s2  }
0x1a: {  	s3 =	simm.s32 $0x0;
	s18 =	sadd.s32 $0xD0700, s2;
	[dreg:$0x10] =	wrdreg s17  }
0x1b: {  	s23 =	simm.s32 $0x2710;
	s20 =	sadd.s32 $0xD3800, s2;
	[dreg:$0x11] =	wrdreg s18  }
0x1c: {  	s5 =	simm.s32 $0x6;
	s21 =	sadd.s32 $0xD6900, s2;
	[dreg:$0x12] =	wrdreg s20  }
0x1d: {  	s22 =	sadd.s32 $0xD9A00, s2;
	s2 =	simm.s32 $0x180;
	[dreg:$0x13] =	wrdreg s21  }
0x1e: {  	[dreg:$0x14] =	wrdreg s22;
	s20 =	simm.s32 $0x2900;
	s22 =	simm.s32 $0xB  }
0x1f: {  	v0 =	vimm.f32 $0.0e+00;
	s17 =	simm.s32 $0x2;
	s18 =	simm.s32 $0x3;
	s21 =	simm.s32 $0x9  }
.LBB2_1:
0x20: {  	[dreg:$0x18] =	wrdreg s3  }
0x21: {  	s3 =	simm.s32 $0x0;
	s1 =	rddreg [dreg:$0x16]  }
0x22: {  	[tilespmem:s3], [sflag:$0xE] =	stream.linear.gather [hbm4b:s1+s3], $0x80, $0x38;
	[tilespmem:$0x1DF80] =	vst v63  }
0x23: {  	_ =	swait.ge [sflag:s6], $0x80  }
0x24: {  	[sflag:s6] =	ssyncset.done $0x0  }
0x25: {  	[sflag:s6] =	ssyncadd.s32 $0xFFFFFF80  }
0x26: {  	s12 =	simm.s32 $0x80;
	s1 =	rddreg [dreg:$0x1]  }
0x27: {  	[tilespmem:s12], [sflag:$0xE] =	stream.linear.gather [hbm4b:s1+s3], $0x80, $0x38;
	[tilespmem:$0x1DF80] =	vst v63  }
0x28: {  	_ =	swait.ge [sflag:s6], $0x80  }
0x29: {  	[sflag:s6] =	ssyncset.done $0x0  }
0x2a: {  	s12 =	simm.s32 $0x100;
	s1 =	rddreg [dreg:$0x17];
	[sflag:s6] =	ssyncadd.s32 $0xFFFFFF80  }
0x2b: {  	[tilespmem:s12], [sflag:$0xE] =	stream.linear.gather [hbm4b:s1+s3], $0x80, $0x38;
	[tilespmem:$0x1DF80] =	vst v63  }
0x2c: {  	_ =	swait.ge [sflag:s6], $0x80  }
0x2d: {  	[sflag:s6] =	ssyncset.done $0x0  }
0x2e: {  	[sflag:s6] =	ssyncadd.s32 $0xFFFFFF80  }
0x2f: {  	v1 =	vld [tilespmem:$0x0]  }
0x30: {  	v2 =	vld [tilespmem:$0x80];
	_ =	sdelay $0x1  }
0x31: {  	s1 =	simm.s32 $0x40;
	s3 =	simm.s32 $0x0;
	v3 =	vld [tilespmem:$0x100]  }
.LBB2_2:
0x32: {  	p0 =	sne.s32 s1, $0x61C0;
	[tilespmem:s3+$0x5080] =	vst v0;
	s3 =	smov.u32 s1;
	s1 =	sadd.s32 $0x40, s1  }
.Ltmp0:
0x33: {  	(pc) =	sbr.rel @p0 .LBB2_2-.Ltmp0, $2  }
0x34: {  	_ =	sdelay $0x2  }
0x35: {  	s3 =	sshra.s32 s3, $0x2  }
0x36: {  	[tilespmem:s3+$0x5080] =	vst v0;
	s1 =	rddreg [dreg:$0xb];
	s3 =	simm.s32 $0x5080  }
0x37: {  	[spmem:s1] =	stream.linear.scatter [tilespmem:s3], [sflag:$0xE], $0x1880, $0x38;
	[tilespmem:$0x1DF80] =	vst v63  }
0x38: {  	_ =	swait.ge [sflag:s6], $0x1880  }
0x39: {  	[sflag:s6] =	ssyncset.done $0x0  }
0x3a: {  	s12 =	rddreg [dreg:$0xc];
	[sflag:s6] =	ssyncadd.s32 $0xFFFFE780  }
0x3b: {  	[spmem:s12] =	stream.linear.scatter [tilespmem:s3], [sflag:$0xE], $0x1880, $0x38;
	[tilespmem:$0x1DF80] =	vst v63  }
0x3c: {  	_ =	swait.ge [sflag:s6], $0x1880  }
0x3d: {  	[sflag:s6] =	ssyncset.done $0x0  }
0x3e: {  	s12 =	rddreg [dreg:$0xd];
	[sflag:s6] =	ssyncadd.s32 $0xFFFFE780  }
0x3f: {  	[spmem:s12] =	stream.linear.scatter [tilespmem:s3], [sflag:$0xE], $0x1880, $0x38;
	[tilespmem:$0x1DF80] =	vst v63  }
0x40: {  	_ =	swait.ge [sflag:s6], $0x1880  }
0x41: {  	[sflag:s6] =	ssyncset.done $0x0  }
0x42: {  	[sflag:s6] =	ssyncadd.s32 $0xFFFFE780  }
0x43: {  	[spmem:s10] =	stream.linear.scatter [tilespmem:s3], [sflag:$0xE], $0x1880, $0x38;
	[tilespmem:$0x1DF80] =	vst v63  }
0x44: {  	_ =	swait.ge [sflag:s6], $0x1880  }
0x45: {  	[sflag:s6] =	ssyncset.done $0x0  }
0x46: {  	[sflag:s6] =	ssyncadd.s32 $0xFFFFE780  }
0x47: {  	[spmem:s11] =	stream.linear.scatter [tilespmem:s3], [sflag:$0xE], $0x1880, $0x38;
	[tilespmem:$0x1DF80] =	vst v63  }
0x48: {  	_ =	swait.ge [sflag:s6], $0x1880  }
0x49: {  	[sflag:s6] =	ssyncset.done $0x0  }
0x4a: {  	v3 =	vmul.f32 v3, v3;
	[sflag:s6] =	ssyncadd.s32 $0xFFFFE780  }
0x4b: {  	s3 =	simm.s32 $0x0;
	s6 =	simm.s32 $0x0;
	[bflag:$0x0] =	sbarrier.arrive $0xFFFF  }
.LBB2_4:
0x4c: {  	s1 =	smul.u32 $0x2710, s6;
	_ =	sdelay $0x1  }
0x4d: {  	s1 =	sadd.s32 s19, s1  }
0x4e: {  	s1 =	sshrl.u32 s1, $0x3  }
0x4f: {  	s10 =	sadd.s32 s13, s1  }
0x50: {  	[tilespmem:s2], [sflag:$0xA] =	stream.linear.gather [hbm4b:s10+s3], $0x2710, $0x38;
	[tilespmem:$0x1DF80] =	vst v63  }
0x51: {  	s11 =	sadd.s32 s26, s1  }
0x52: {  	[tilespmem:s20], [sflag:$0xB] =	stream.linear.gather [hbm4b:s11+s3], $0x2710, $0x38;
	[tilespmem:$0x1DF80] =	vst v63  }
0x53: {  	s12 =	sadd.s32 s28, s1;
	s11 =	simm.s32 $0x5080  }
0x54: {  	[tilespmem:s11], [sflag:$0xC] =	stream.linear.gather [hbm4b:s12+s3], $0x2710, $0x38;
	[tilespmem:$0x1DF80] =	vst v63  }
0x55: {  	s1 =	sadd.s32 s29, s1;
	s11 =	simm.s32 $0x7800  }
0x56: {  	[tilespmem:s11], [sflag:$0xD] =	stream.linear.gather [hbm4b:s1+s3], $0x2710, $0x38;
	[tilespmem:$0x1DF80] =	vst v63  }
0x57: {  	_ =	swait.ge [sflag:s22], $0x2710  }
0x58: {  	[sflag:s22] =	ssyncset.done $0x0  }
0x59: {  	[sflag:s22] =	ssyncadd.s32 $0xFFFFD8F0  }
0x5a: {  	s12 =	rddreg [dreg:$0x0]  }
0x5b: {  	[tilespmem:s24], [sflag:$0x1] =	stream.indirect.gather [hbm4b:s12+s23], $0x1, s20, s23, $0xb8;
	[tilespmem:$0x1DF80] =	vst v63  }
0x5c: {  	s10 =	rddreg [dreg:$0x8]  }
0x5d: {  	[tilespmem:s25], [sflag:$0x2] =	stream.indirect.gather [hbm4b:s10+s23], $0x1, s20, s23, $0xb8;
	[tilespmem:$0x1DF80] =	vst v63  }
0x5e: {  	s11 =	rddreg [dreg:$0x9]  }
0x5f: {  	[tilespmem:s30], [sflag:$0x3] =	stream.indirect.gather [hbm4b:s11+s23], $0x1, s20, s23, $0xb8;
	[tilespmem:$0x1DF80] =	vst v63  }
0x60: {  	s12 =	rddreg [dreg:$0xa]  }
0x61: {  	[tilespmem:s31], [sflag:$0x4] =	stream.indirect.gather [hbm4b:s12+s23], $0x1, s20, s23, $0xb8;
	[tilespmem:$0x1DF80] =	vst v63  }
0x62: {  	_ =	swait.ge [sflag:s9], $0x2710  }
0x63: {  	[sflag:s9] =	ssyncset.done $0x0  }
0x64: {  	[sflag:s9] =	ssyncadd.s32 $0xFFFFD8F0  }
0x65: {  	_ =	swait.ge [sflag:s14], $0x2710  }
0x66: {  	[sflag:s14] =	ssyncset.done $0x0  }
0x67: {  	[sflag:s14] =	ssyncadd.s32 $0xFFFFD8F0  }
0x68: {  	_ =	swait.ge [sflag:s15], $0x2710  }
0x69: {  	[sflag:s15] =	ssyncset.done $0x0  }
0x6a: {  	[sflag:s15] =	ssyncadd.s32 $0xFFFFD8F0  }
0x6b: {  	_ =	swait.ge [sflag:s16], $0x2710  }
0x6c: {  	[sflag:s16] =	ssyncset.done $0x0  }
0x6d: {  	[sflag:s16] =	ssyncadd.s32 $0xFFFFD8F0  }
0x6e: {  	_ =	swait.ge [sflag:s17], $0x2710  }
0x6f: {  	[sflag:s17] =	ssyncset.done $0x0  }
0x70: {  	[sflag:s17] =	ssyncadd.s32 $0xFFFFD8F0  }
0x71: {  	_ =	swait.ge [sflag:s18], $0x2710  }
0x72: {  	[sflag:s18] =	ssyncset.done $0x0  }
0x73: {  	[sflag:s18] =	ssyncadd.s32 $0xFFFFD8F0  }
0x74: {  	_ =	swait.ge [sflag:s0], $0x2710  }
0x75: {  	[sflag:s0] =	ssyncset.done $0x0  }
0x76: {  	s10 =	simm.s32 $0x0;
	[sflag:s0] =	ssyncadd.s32 $0xFFFFD8F0  }
0x77: {  	v4 =	vld [tilespmem:s10+$0x5080]  }
0x78: {  	v5 =	vld [tilespmem:s10+$0x7800];
	_ =	sdelay $0x4  }
0x79: {  	s1 =	simm.s32 $0x10;
	v6 =	vmul.f32 v4, v1;
	v7 =	vmul.f32 v5, v2  }
0x7a: {  	v4 =	vld [tilespmem:s1+$0x5080]  }
0x7b: {  	v5 =	vld [tilespmem:s1+$0x7800];
	v6 =	vadd.f32 v7, v6  }
0x7c: {  	v7 =	vld [tilespmem:s10+$0xC700]  }
0x7d: {  	v8 =	vld [tilespmem:s10+$0xEE80];
	v9 =	vmul.f32 $-5.000000000e-01, v6  }
0x7e: {  	s11 =	simm.s32 $0x80;
	v6 =	vld [tilespmem:s10+$0x11600]  }
.LBB2_5:
0x7f: {  	p0 =	sne.s32 s11, $0x9C00;
	v10 =	vsub.f32 v9, v3;
	v9 =	vadd.f32 v9, v3;
	v11 =	vld [tilespmem:s10+$0x13D80]  }
0x80: {  	v12 =	vmul.f32 v4, v1  }
0x81: {  	s12 =	sshra.s32 s11, $0x2;
	v13 =	vmul.f32 v5, v2;
	[tilespmem:s10+$0x9F80] =	vst v10;
	v7 =	vmul.f32 v9, v7  }
.Ltmp1:
0x82: {  	v4 =	vld [tilespmem:s12+$0x5080];
	v8 =	vmul.f32 v8, v9;
	(pc) =	sbr.rel @p0 .LBB2_5-.Ltmp1, $4  }
0x83: {  	v10 =	vadd.f32 v13, v12;
	v5 =	vld [tilespmem:s12+$0x7800];
	[tilespmem:s10+$0xC700] =	vst v7;
	v6 =	vmul.f32 v6, v9  }
0x84: {  	v7 =	vld [tilespmem:s1+$0xC700];
	[tilespmem:s10+$0xEE80] =	vst v8;
	v11 =	vmul.f32 v11, v9  }
0x85: {  	v9 =	vmul.f32 $-5.000000000e-01, v10;
	v8 =	vld [tilespmem:s1+$0xEE80];
	[tilespmem:s10+$0x11600] =	vst v6  }
0x86: {  	s11 =	sadd.s32 $0x40, s11;
	v6 =	vld [tilespmem:s1+$0x11600];
	[tilespmem:s10+$0x13D80] =	vst v11;
	s10 =	smov.u32 s1;
	s1 =	smov.u32 s12  }
0x87: {  	v10 =	vadd.f32 v9, v3;
	v11 =	vld [tilespmem:s10+$0x13D80]  }
0x88: {  	v61 =	vsub.f32 v9, v3;
	v4 =	vmul.f32 v4, v1  }
0x89: {  	v5 =	vmul.f32 v5, v2;
	v7 =	vmul.f32 v10, v7  }
0x8a: {  	[tilespmem:s10+$0x9F80] =	vst v61;
	v8 =	vmul.f32 v8, v10  }
0x8b: {  	v4 =	vadd.f32 v5, v4;
	[tilespmem:s10+$0xC700] =	vst v7;
	v6 =	vmul.f32 v6, v10  }
0x8c: {  	v7 =	vld [tilespmem:s1+$0xC700];
	[tilespmem:s10+$0xEE80] =	vst v8;
	v62 =	vmul.f32 v11, v10  }
0x8d: {  	v4 =	vmul.f32 $-5.000000000e-01, v4;
	v5 =	vld [tilespmem:s1+$0xEE80];
	[tilespmem:s10+$0x11600] =	vst v6  }
0x8e: {  	v6 =	vld [tilespmem:s1+$0x11600];
	[tilespmem:s10+$0x13D80] =	vst v62  }
0x8f: {  	v63 =	vadd.f32 v4, v3;
	v9 =	vld [tilespmem:s1+$0x13D80]  }
0x90: {  	v4 =	vsub.f32 v4, v3  }
0x91: {  	v7 =	vmul.f32 v63, v7  }
0x92: {  	[tilespmem:s1+$0x9F80] =	vst v4;
	v4 =	vmul.f32 v5, v63  }
0x93: {  	[tilespmem:s1+$0xC700] =	vst v7;
	v5 =	vmul.f32 v6, v63  }
0x94: {  	[tilespmem:s1+$0xEE80] =	vst v4;
	v4 =	vmul.f32 v9, v63  }
0x95: {  	[tilespmem:s1+$0x11600] =	vst v5  }
0x96: {  	s10 =	rddreg [dreg:$0x2];
	[tilespmem:s1+$0x13D80] =	vst v4  }
0x97: {  	[spmem:s10] =	stream.indirect.scatter.add.f32 [tilespmem:s24], [sflag:$0x5], $0x1, s2, s23, $0xb8;
	[tilespmem:$0x1DF80] =	vst v63  }
0x98: {  	s11 =	rddreg [dreg:$0x3]  }
0x99: {  	[spmem:s11] =	stream.indirect.scatter.add.f32 [tilespmem:s25], [sflag:$0x6], $0x1, s2, s23, $0xb8;
	[tilespmem:$0x1DF80] =	vst v63  }
0x9a: {  	s12 =	rddreg [dreg:$0x4]  }
0x9b: {  	[spmem:s12] =	stream.indirect.scatter.add.f32 [tilespmem:s30], [sflag:$0x7], $0x1, s2, s23, $0xb8;
	[tilespmem:$0x1DF80] =	vst v63  }
0x9c: {  	s10 =	rddreg [dreg:$0x5]  }
0x9d: {  	[spmem:s10] =	stream.indirect.scatter.add.f32 [tilespmem:s31], [sflag:$0x8], $0x1, s2, s23, $0xb8;
	[tilespmem:$0x1DF80] =	vst v63  }
0x9e: {  	s11 =	rddreg [dreg:$0x6];
	s12 =	simm.s32 $0x9F80  }
0x9f: {  	[spmem:s11] =	stream.indirect.scatter.add.f32 [tilespmem:s12], [sflag:$0x9], $0x1, s2, s23, $0xb8;
	[tilespmem:$0x1DF80] =	vst v63  }
0xa0: {  	_ =	swait.ge [sflag:s4], $0x2710  }
0xa1: {  	[sflag:s4] =	ssyncset.done $0x0  }
0xa2: {  	[sflag:s4] =	ssyncadd.s32 $0xFFFFD8F0  }
0xa3: {  	_ =	swait.ge [sflag:s5], $0x2710  }
0xa4: {  	[sflag:s5] =	ssyncset.done $0x0  }
0xa5: {  	[sflag:s5] =	ssyncadd.s32 $0xFFFFD8F0  }
0xa6: {  	_ =	swait.ge [sflag:s7], $0x2710  }
0xa7: {  	[sflag:s7] =	ssyncset.done $0x0  }
0xa8: {  	s6 =	sadd.s32 $0x1, s6;
	[sflag:s7] =	ssyncadd.s32 $0xFFFFD8F0  }
0xa9: {  	p0 =	sne.s32 s6, $0x5;
	_ =	swait.ge [sflag:s8], $0x2710  }
.Ltmp2:
0xaa: {  	[sflag:s8] =	ssyncset.done $0x0;
	(pc) =	sbr.rel @p0 .LBB2_4-.Ltmp2, $4  }
0xab: {  	[sflag:s8] =	ssyncadd.s32 $0xFFFFD8F0  }
0xac: {  	_ =	swait.ge [sflag:s21], $0x2710  }
0xad: {  	[sflag:s21] =	ssyncset.done $0x0  }
0xae: {  	[sflag:s21] =	ssyncadd.s32 $0xFFFFD8F0  }
0xaf: {  	s1 =	stileid.u32;
	[bflag:$0x0] =	sbarrier.arrive $0xFFFF  }
0xb0: {  	s6 =	simm.s32 $0xE;
	s1 =	sshll.u32 s1, $0x6;
	s12 =	rddreg [dreg:$0xb]  }
0xb1: {  	s10 =	rddreg [dreg:$0x10];
	s1 =	sor.u32 $0x1C0E, s1;
	s3 =	sshrl.u32 s12, $0x3  }
0xb2: {  	[hbm:s10], [sflag:s1] =	dma.local [spmem:s3], $0x310  }
0xb3: {  	_ =	swait.ge [sflag:s6], $0x310  }
0xb4: {  	[sflag:s6] =	ssyncset.done $0x0;
	s11 =	rddreg [dreg:$0xc]  }
0xb5: {  	s12 =	rddreg [dreg:$0x11];
	[sflag:s6] =	ssyncadd.s32 $0xFFFFFCF0;
	s3 =	sshrl.u32 s11, $0x3  }
0xb6: {  	[hbm:s12], [sflag:s1] =	dma.local [spmem:s3], $0x310  }
0xb7: {  	_ =	swait.ge [sflag:s6], $0x310  }
0xb8: {  	[sflag:s6] =	ssyncset.done $0x0;
	s10 =	rddreg [dreg:$0xd]  }
0xb9: {  	s11 =	rddreg [dreg:$0x12];
	[sflag:s6] =	ssyncadd.s32 $0xFFFFFCF0;
	s3 =	sshrl.u32 s10, $0x3  }
0xba: {  	[hbm:s11], [sflag:s1] =	dma.local [spmem:s3], $0x310  }
0xbb: {  	_ =	swait.ge [sflag:s6], $0x310  }
0xbc: {  	[sflag:s6] =	ssyncset.done $0x0;
	s10 =	rddreg [dreg:$0xe]  }
0xbd: {  	s11 =	rddreg [dreg:$0x13];
	[sflag:s6] =	ssyncadd.s32 $0xFFFFFCF0;
	s12 =	sshrl.u32 s10, $0x3  }
0xbe: {  	[hbm:s11], [sflag:s1] =	dma.local [spmem:s12], $0x310  }
0xbf: {  	_ =	swait.ge [sflag:s6], $0x310  }
0xc0: {  	[sflag:s6] =	ssyncset.done $0x0;
	s11 =	rddreg [dreg:$0xf]  }
0xc1: {  	s12 =	rddreg [dreg:$0x14];
	[sflag:s6] =	ssyncadd.s32 $0xFFFFFCF0;
	s6 =	sshrl.u32 s11, $0x3  }
0xc2: {  	[hbm:s12], [sflag:s1] =	dma.local [spmem:s6], $0x310  }
0xc3: {  	s6 =	simm.s32 $0xE  }
0xc4: {  	_ =	swait.ge [sflag:s6], $0x310  }
0xc5: {  	s1 =	rddreg [dreg:$0x18]  }
0xc6: {  	s12 =	rddreg [dreg:$0x15];
	s3 =	sadd.s32 $0x1, s1  }
0xc7: {  	p0 =	sne.s32 s3, s12  }
.Ltmp3:
0xc8: {  	_ = 	snop;
	(pc) =	sbr.rel @p0 .LBB2_1-.Ltmp3, $3  }
0xc9: {  	_ =	sdelay $0x1  }
0xca: {  	[sflag:s6] =	ssyncset.done $0x0  }
0xcb: {  	[sflag:s6] =	ssyncadd.s32 $0xFFFFFCF0  }
0xcc: {  	_ =	sfence.sel $0x180000  }
0xcd: {  	[bflag:$0x0] =	sbarrier.arrive $0xFFFF  }
0xce: {  	_ =	strace $0x90000047  }
0xcf: {  	s0 =	stileid.u32;
	[bflag:$0x2] =	sbarrier.arrive $0xFFFF  }
0xd0: {  	p0 =	sne.s32 s0, $0x0;
	s0 =	rddreg [dreg:$0x7]  }
0xd1: {  	s0 =	sadd.s32 @!p0 $0x100000, s0  }
0xd2: {  	[sflag:s0] =	ssyncadd.tile.s32 @!p0 $0x1;
	_ =	shalt  }
.Lfunc_end2:
_tile_overlayer_lowered:
.L_overlay_start_2:
0xd3: {  	(tag) =	ssettag $0x2  }
0xd4: {  	s0 =	rddreg [dreg:$0x0];
	s2 =	stileid.u32  }
0xd5: {  	s1 =	rddreg [dreg:$0x1];
	p0 =	sne.s32 s2, $0x0  }
0xd6: {  	s3 =	rddreg [dreg:$0x2];
	[bflag:$0x3] =	sbarrier.arrive $0xFFFF;
	s2 =	simm.s32 @!p0 $0x1C0E  }
0xd7: {  	[timem:s3], [sflag:s2] =	dma.local @!p0 [hbm:s0], s1  }
0xd8: {  	s0 =	simm.s32 @!p0 $0xE  }
0xd9: {  	_ =	swait.ge @!p0 [sflag:s0], s1  }
0xda: {  	s1 =	ssub.s32 @!p0 $0x0, s1;
	[sflag:s0] =	ssyncset.done @!p0 $0x0  }
0xdb: {  	[sflag:s0] =	ssyncadd.s32 @!p0 s1  }
0xdc: {  	[bflag:$0x3] =	sbarrier.arrive $0xFFFF  }
0xdd: {  	_ =	shalt  }

</sc_bundles>
